<compile_context>
chip_gen: v7x
topology: tpu7x:2x2x1
jax: 0.10.2.dev20260603
libtpu: 0.0.44.dev20260713+nightly
codegen_flags: <defaults>
</compile_context>

<pallas_src>
import functools

import jax
import jax.numpy as jnp
from jax import lax
from jax.experimental import pallas as pl
from jax.experimental.pallas import tpu as pltpu
from jax.experimental.pallas import tpu_sc as plsc

_B = 4096
_D = 3 * 64 * 64
_V = 1024
_NC = 2
_NS = 16
_NW = _NC * _NS
_ROWS_PER_W = _B // _NW
_CH = 4
_NCH = _ROWS_PER_W // _CH
_NB = 2


def _hash_body(x_ref, idx_ref):
    x = x_ref[...]
    p = x[:, 0:8]
    for k in range(1, 16):
        p = p + x[:, 8 * k:8 * k + 8]
    q = p[:, 0:4] + p[:, 4:8]
    r = q[:, 0:2] + q[:, 2:4]
    m = (r[:, 0:1] + r[:, 1:2]) * (1.0 / 128.0)
    dec = (jnp.mod(m * 100.0, 1.0) * 10000.0).astype(jnp.int32)
    idx_ref[...] = (dec / 10000 * _V).astype(jnp.int32)


def _tanh_body(x_ref, o_ref):
    o_ref[...] = jnp.tanh(x_ref[...])


def _make_sc_gather():
    mesh = plsc.VectorSubcoreMesh(core_axis_name="c", subcore_axis_name="s")

    @functools.partial(
        pl.kernel,
        mesh=mesh,
        out_type=jax.ShapeDtypeStruct((_B, _D), jnp.float32),
        scratch_types=[
            pltpu.VMEM((_NCH, _CH), jnp.int32),
        ] + [pltpu.VMEM((_CH, _D), jnp.float32)] * _NB
          + [pltpu.SemaphoreType.DMA] * (2 * _NB),
    )
    def gather_kernel(table_hbm, idx_hbm, out_hbm, idx_v, *bs):
        bufs, gsems, wsems = bs[:_NB], bs[_NB:2 * _NB], bs[2 * _NB:]
        wid = lax.axis_index("s") * _NC + lax.axis_index("c")
        base = wid * _ROWS_PER_W
        pltpu.sync_copy(idx_hbm.at[pl.ds(wid * _NCH, _NCH)], idx_v)

        def issue_g(j, t):
            pltpu.async_copy(table_hbm.at[idx_v.at[j]], bufs[t], gsems[t])

        def wait_g(j, t):
            pltpu.make_async_copy(
                table_hbm.at[idx_v.at[j]], bufs[t], gsems[t]).wait()

        def issue_w(j, t):
            pltpu.async_copy(
                bufs[t], out_hbm.at[pl.ds(base + j * _CH, _CH)], wsems[t])

        def wait_w(j, t):
            pltpu.make_async_copy(
                bufs[t], out_hbm.at[pl.ds(base + j * _CH, _CH)],
                wsems[t]).wait()

        for t in range(_NB):
            issue_g(t, t)

        def group(i, carry):
            j = _NB * i
            for t in range(_NB):
                wait_g(j + t, t)
                issue_w(j + t, t)
            for t in range(_NB):
                wait_w(j + t, t)
                issue_g(j + _NB + t, t)
            return carry

        lax.fori_loop(0, (_NCH - _NB) // _NB, group, 0)

        j = _NCH - _NB
        for t in range(_NB):
            wait_g(j + t, t)
            issue_w(j + t, t)
        for t in range(_NB):
            wait_w(j + t, t)

    return gather_kernel


def kernel(input, images):
    assert input.shape == (_B, 128)
    assert images.shape == (_V, 3, 64, 64)

    idx = pl.pallas_call(
        _hash_body,
        out_shape=jax.ShapeDtypeStruct((_B, 1), jnp.int32),
    )(input)

    bank = images.reshape(_V, _D)
    tanh_bank = pl.pallas_call(
        _tanh_body,
        grid=(16,),
        in_specs=[pl.BlockSpec((_V // 16, _D), lambda i: (i, 0))],
        out_specs=pl.BlockSpec((_V // 16, _D), lambda i: (i, 0)),
        out_shape=jax.ShapeDtypeStruct((_V, _D), jnp.float32),
    )(bank)

    idx2 = idx.reshape(_B // _CH, _CH)
    flat = _make_sc_gather()(tanh_bank, idx2)
    return flat.reshape(_B, 3, 64, 64)

# --- scband reference (transcript-rebuilt; emitter-appended) ---
"""Pipeline reference for scband-generator-80582176408046 (READ-ONLY COPY).

The authoritative reference and input builder live on the scoring server;
editing this copy changes nothing except your own understanding.
"""

import jax, jax.numpy as jnp
import numpy as np

N_BANK = 1024

def find_nth_decimal(x, first, size=2):
    # torch: (x * 10**(first-1) % 1 * 10**size).to(int)
    # precedence: ((x * 10**(first-1)) % 1) * 10**size, truncate toward zero (values nonneg)
    return (jnp.mod(x * (10.0 ** (first - 1)), 1.0) * (10.0 ** size)).astype(jnp.int32)

def hash_vectors(x, n=1000):
    l = 1
    while 10 ** l < n:
        l += 1
    decimals = find_nth_decimal(jnp.mean(x, axis=1), first=3, size=l)
    return (decimals / (10 ** l) * n).astype(jnp.int64)

def setup_inputs(seed: int = 0) -> dict:
    key = jax.random.key(seed)
    k1, k2 = jax.random.split(key)
    inp = jax.random.normal(k1, (4096, 128), dtype=jnp.float32)
    images = jax.random.normal(k2, (N_BANK, 3, 64, 64), dtype=jnp.float32) * 0.5
    return {"input": inp, "images": images}

def reference(input, images):
    b = input.shape[0]
    n = images.shape[0]
    if b != n:
        idx = hash_vectors(jax.lax.stop_gradient(input), n=n)
        outputs = jnp.take(images, idx, axis=0)
    else:
        outputs = images
    return jnp.tanh(outputs)

if __name__ == "__main__":
    import jax
    _d = setup_inputs()
    print(jax.jit(kernel)(*tuple(_d.values())))

</pallas_src>

<mosaic_0001>
#map = affine_map<(d0, d1) -> (0, 0)>
module attributes {stable_mosaic.version = 14 : i64} {
  func.func @gather_kernel(%arg0: i32, %arg1: i32, %arg2: memref<1024x12288xf32, #tpu.memory_space<hbm>>, %arg3: memref<1024x4xi32, #tpu.memory_space<hbm>>, %arg4: memref<4096x12288xf32, #tpu.memory_space<hbm>>, %arg5: memref<32x4xi32, #tpu.memory_space<vmem>>, %arg6: memref<4x12288xf32, #tpu.memory_space<vmem>>, %arg7: memref<4x12288xf32, #tpu.memory_space<vmem>>, %arg8: memref<!tpu.dma_semaphore, #tpu.memory_space<semaphore_mem>>, %arg9: memref<!tpu.dma_semaphore, #tpu.memory_space<semaphore_mem>>, %arg10: memref<!tpu.dma_semaphore, #tpu.memory_space<semaphore_mem>>, %arg11: memref<!tpu.dma_semaphore, #tpu.memory_space<semaphore_mem>>) attributes {dimension_semantics = [#tpu.dimension_semantics<core_parallel>, #tpu.dimension_semantics<subcore_parallel>], iteration_bounds = array<i64: 2, 16>, scalar_prefetch = 0 : i64, scratch_operands = 7 : i64, tpu.core_type = #tpu.core_type<sc_vector_subcore>, window_params = [{transform_indices = #map}, {transform_indices = #map}, {transform_indices = #map}]} {
    %mul3A = arith.constant 2 : i32
    %mul3A_0 = arith.muli %arg1, %mul3A : i32
    %add3A = arith.addi %mul3A_0, %arg0 : i32
    %mul3A_1 = arith.constant 128 : i32
    %mul3A_2 = arith.muli %add3A, %mul3A_1 : i32
    %mul3A_3 = arith.constant 32 : i32
    %mul3A_4 = arith.muli %add3A, %mul3A_3 : i32
    "tpu.region"() ({
      %run_scoped3A = tpu.sem_alloc : memref<!tpu.dma_semaphore, #tpu.memory_space<semaphore_mem>>
      %dma_start3A_60 = arith.constant 0 : i32
      %dma_start3A_61 = tpu.memref_slice %arg3[%mul3A_4, %dma_start3A_60] : memref<1024x4xi32, #tpu.memory_space<hbm>> -> memref<32x4xi32, #tpu.memory_space<hbm>>
      %dma_start3A_62 = arith.constant 0 : i32
      %dma_start3A_63 = tpu.memref_slice %arg3[%mul3A_4, %dma_start3A_62] : memref<1024x4xi32, #tpu.memory_space<hbm>> -> memref<32x4xi32, #tpu.memory_space<hbm>>
      tpu.enqueue_dma source(%dma_start3A_63 : memref<32x4xi32, #tpu.memory_space<hbm>>) target(%arg5 : memref<32x4xi32, #tpu.memory_space<vmem>>) target_semaphore(%run_scoped3A : memref<!tpu.dma_semaphore, #tpu.memory_space<semaphore_mem>>)
      %dma_wait3A_64 = arith.constant 0 : i32
      %dma_wait3A_65 = tpu.memref_slice %arg3[%mul3A_4, %dma_wait3A_64] : memref<1024x4xi32, #tpu.memory_space<hbm>> -> memref<32x4xi32, #tpu.memory_space<hbm>>
      %dma_wait3A_66 = arith.constant 0 : i32
      %dma_wait3A_67 = tpu.memref_slice %arg3[%mul3A_4, %dma_wait3A_66] : memref<1024x4xi32, #tpu.memory_space<hbm>> -> memref<32x4xi32, #tpu.memory_space<hbm>>
      tpu.wait_dma2 semaphore(%run_scoped3A : memref<!tpu.dma_semaphore, #tpu.memory_space<semaphore_mem>>) src(%dma_wait3A_67 : memref<32x4xi32, #tpu.memory_space<hbm>>) dst(%arg5 : memref<32x4xi32, #tpu.memory_space<vmem>>)
      tpu.yield
    }) : () -> ()
    %dma_start3A = arith.constant 0 : i32
    %dma_start3A_5 = arith.constant 0 : i32
    %dma_start3A_6 = tpu.memref_slice %arg5[%dma_start3A, %dma_start3A_5] : memref<32x4xi32, #tpu.memory_space<vmem>> -> memref<1x4xi32, #tpu.memory_space<vmem>>
    %dma_start3A_7 = tpu.memref_squeeze %dma_start3A_6 : memref<1x4xi32, #tpu.memory_space<vmem>> -> memref<4xi32, #tpu.memory_space<vmem>>
    %dma_start3A_8 = arith.constant 0 : i32
    %dma_start3A_9 = arith.constant 0 : i32
    %dma_start3A_10 = tpu.memref_slice %arg2[%dma_start3A_8, %dma_start3A_9] : memref<1024x12288xf32, #tpu.memory_space<hbm>> -> memref<1024x12288xf32, #tpu.memory_space<hbm>>
    tpu.enqueue_indirect_dma source(%dma_start3A_10 : memref<1024x12288xf32, #tpu.memory_space<hbm>>) target(%arg6 : memref<4x12288xf32, #tpu.memory_space<vmem>>) offsets(%dma_start3A_7 : memref<4xi32, #tpu.memory_space<vmem>>) semaphore(%arg8 : memref<!tpu.dma_semaphore, #tpu.memory_space<semaphore_mem>>)
    %dma_start3A_11 = arith.constant 1 : i32
    %dma_start3A_12 = arith.constant 0 : i32
    %dma_start3A_13 = tpu.memref_slice %arg5[%dma_start3A_11, %dma_start3A_12] : memref<32x4xi32, #tpu.memory_space<vmem>> -> memref<1x4xi32, #tpu.memory_space<vmem>>
    %dma_start3A_14 = tpu.memref_squeeze %dma_start3A_13 : memref<1x4xi32, #tpu.memory_space<vmem>> -> memref<4xi32, #tpu.memory_space<vmem>>
    %dma_start3A_15 = arith.constant 0 : i32
    %dma_start3A_16 = arith.constant 0 : i32
    %dma_start3A_17 = tpu.memref_slice %arg2[%dma_start3A_15, %dma_start3A_16] : memref<1024x12288xf32, #tpu.memory_space<hbm>> -> memref<1024x12288xf32, #tpu.memory_space<hbm>>
    tpu.enqueue_indirect_dma source(%dma_start3A_17 : memref<1024x12288xf32, #tpu.memory_space<hbm>>) target(%arg7 : memref<4x12288xf32, #tpu.memory_space<vmem>>) offsets(%dma_start3A_14 : memref<4xi32, #tpu.memory_space<vmem>>) semaphore(%arg9 : memref<!tpu.dma_semaphore, #tpu.memory_space<semaphore_mem>>)
    %scan3A = arith.constant 0 : i32
    %scan3A_18 = arith.constant 0 : i32
    %scan3A_19 = arith.constant 15 : i32
    %scan3A_20 = arith.addi %scan3A_18, %scan3A_19 : i32
    %scan3A_21 = arith.constant 1 : i32
    scf.for %scan3A_60 = %scan3A_18 to %scan3A_20 step %scan3A_21  : i32 {
      %mul3A_61 = arith.constant 2 : i32
      %mul3A_62 = arith.muli %mul3A_61, %scan3A_60 : i32
      %add3A_63 = arith.constant 0 : i32
      %add3A_64 = arith.addi %mul3A_62, %add3A_63 : i32
      %dma_wait3A_65 = arith.constant 0 : i32
      %dma_wait3A_66 = tpu.memref_slice %arg5[%add3A_64, %dma_wait3A_65] : memref<32x4xi32, #tpu.memory_space<vmem>> -> memref<1x4xi32, #tpu.memory_space<vmem>>
      %dma_wait3A_67 = tpu.memref_squeeze %dma_wait3A_66 : memref<1x4xi32, #tpu.memory_space<vmem>> -> memref<4xi32, #tpu.memory_space<vmem>>
      %dma_wait3A_68 = arith.constant 0 : i32
      %dma_wait3A_69 = arith.constant 0 : i32
      %dma_wait3A_70 = tpu.memref_slice %arg2[%dma_wait3A_68, %dma_wait3A_69] : memref<1024x12288xf32, #tpu.memory_space<hbm>> -> memref<1024x12288xf32, #tpu.memory_space<hbm>>
      tpu.wait_indirect_dma semaphore(%arg8 : memref<!tpu.dma_semaphore, #tpu.memory_space<semaphore_mem>>) src(%dma_wait3A_70 : memref<1024x12288xf32, #tpu.memory_space<hbm>>) dst(%arg6 : memref<4x12288xf32, #tpu.memory_space<vmem>>)
      %add3A_71 = arith.constant 0 : i32
      %add3A_72 = arith.addi %mul3A_62, %add3A_71 : i32
      %mul3A_73 = arith.constant 4 : i32
      %mul3A_74 = arith.muli %add3A_72, %mul3A_73 : i32
      %add3A_75 = arith.addi %mul3A_2, %mul3A_74 : i32
      %dma_start3A_76 = arith.constant 0 : i32
      %dma_start3A_77 = tpu.memref_slice %arg4[%add3A_75, %dma_start3A_76] : memref<4096x12288xf32, #tpu.memory_space<hbm>> -> memref<4x12288xf32, #tpu.memory_space<hbm>>
      %dma_start3A_78 = arith.constant 0 : i32
      %dma_start3A_79 = tpu.memref_slice %arg4[%add3A_75, %dma_start3A_78] : memref<4096x12288xf32, #tpu.memory_space<hbm>> -> memref<4x12288xf32, #tpu.memory_space<hbm>>
      tpu.enqueue_dma source(%arg6 : memref<4x12288xf32, #tpu.memory_space<vmem>>) target(%dma_start3A_79 : memref<4x12288xf32, #tpu.memory_space<hbm>>) target_semaphore(%arg10 : memref<!tpu.dma_semaphore, #tpu.memory_space<semaphore_mem>>)
      %add3A_80 = arith.constant 1 : i32
      %add3A_81 = arith.addi %mul3A_62, %add3A_80 : i32
      %dma_wait3A_82 = arith.constant 0 : i32
      %dma_wait3A_83 = tpu.memref_slice %arg5[%add3A_81, %dma_wait3A_82] : memref<32x4xi32, #tpu.memory_space<vmem>> -> memref<1x4xi32, #tpu.memory_space<vmem>>
      %dma_wait3A_84 = tpu.memref_squeeze %dma_wait3A_83 : memref<1x4xi32, #tpu.memory_space<vmem>> -> memref<4xi32, #tpu.memory_space<vmem>>
      %dma_wait3A_85 = arith.constant 0 : i32
      %dma_wait3A_86 = arith.constant 0 : i32
      %dma_wait3A_87 = tpu.memref_slice %arg2[%dma_wait3A_85, %dma_wait3A_86] : memref<1024x12288xf32, #tpu.memory_space<hbm>> -> memref<1024x12288xf32, #tpu.memory_space<hbm>>
      tpu.wait_indirect_dma semaphore(%arg9 : memref<!tpu.dma_semaphore, #tpu.memory_space<semaphore_mem>>) src(%dma_wait3A_87 : memref<1024x12288xf32, #tpu.memory_space<hbm>>) dst(%arg7 : memref<4x12288xf32, #tpu.memory_space<vmem>>)
      %add3A_88 = arith.constant 1 : i32
      %add3A_89 = arith.addi %mul3A_62, %add3A_88 : i32
      %mul3A_90 = arith.constant 4 : i32
      %mul3A_91 = arith.muli %add3A_89, %mul3A_90 : i32
      %add3A_92 = arith.addi %mul3A_2, %mul3A_91 : i32
      %dma_start3A_93 = arith.constant 0 : i32
      %dma_start3A_94 = tpu.memref_slice %arg4[%add3A_92, %dma_start3A_93] : memref<4096x12288xf32, #tpu.memory_space<hbm>> -> memref<4x12288xf32, #tpu.memory_space<hbm>>
      %dma_start3A_95 = arith.constant 0 : i32
      %dma_start3A_96 = tpu.memref_slice %arg4[%add3A_92, %dma_start3A_95] : memref<4096x12288xf32, #tpu.memory_space<hbm>> -> memref<4x12288xf32, #tpu.memory_space<hbm>>
      tpu.enqueue_dma source(%arg7 : memref<4x12288xf32, #tpu.memory_space<vmem>>) target(%dma_start3A_96 : memref<4x12288xf32, #tpu.memory_space<hbm>>) target_semaphore(%arg11 : memref<!tpu.dma_semaphore, #tpu.memory_space<semaphore_mem>>)
      %add3A_97 = arith.constant 0 : i32
      %add3A_98 = arith.addi %mul3A_62, %add3A_97 : i32
      %mul3A_99 = arith.constant 4 : i32
      %mul3A_100 = arith.muli %add3A_98, %mul3A_99 : i32
      %add3A_101 = arith.addi %mul3A_2, %mul3A_100 : i32
      %dma_wait3A_102 = arith.constant 0 : i32
      %dma_wait3A_103 = tpu.memref_slice %arg4[%add3A_101, %dma_wait3A_102] : memref<4096x12288xf32, #tpu.memory_space<hbm>> -> memref<4x12288xf32, #tpu.memory_space<hbm>>
      %dma_wait3A_104 = arith.constant 0 : i32
      %dma_wait3A_105 = tpu.memref_slice %arg4[%add3A_101, %dma_wait3A_104] : memref<4096x12288xf32, #tpu.memory_space<hbm>> -> memref<4x12288xf32, #tpu.memory_space<hbm>>
      tpu.wait_dma2 semaphore(%arg10 : memref<!tpu.dma_semaphore, #tpu.memory_space<semaphore_mem>>) src(%arg6 : memref<4x12288xf32, #tpu.memory_space<vmem>>) dst(%dma_wait3A_105 : memref<4x12288xf32, #tpu.memory_space<hbm>>)
      %add3A_106 = arith.constant 2 : i32
      %add3A_107 = arith.addi %mul3A_62, %add3A_106 : i32
      %add3A_108 = arith.constant 0 : i32
      %add3A_109 = arith.addi %add3A_107, %add3A_108 : i32
      %dma_start3A_110 = arith.constant 0 : i32
      %dma_start3A_111 = tpu.memref_slice %arg5[%add3A_109, %dma_start3A_110] : memref<32x4xi32, #tpu.memory_space<vmem>> -> memref<1x4xi32, #tpu.memory_space<vmem>>
      %dma_start3A_112 = tpu.memref_squeeze %dma_start3A_111 : memref<1x4xi32, #tpu.memory_space<vmem>> -> memref<4xi32, #tpu.memory_space<vmem>>
      %dma_start3A_113 = arith.constant 0 : i32
      %dma_start3A_114 = arith.constant 0 : i32
      %dma_start3A_115 = tpu.memref_slice %arg2[%dma_start3A_113, %dma_start3A_114] : memref<1024x12288xf32, #tpu.memory_space<hbm>> -> memref<1024x12288xf32, #tpu.memory_space<hbm>>
      tpu.enqueue_indirect_dma source(%dma_start3A_115 : memref<1024x12288xf32, #tpu.memory_space<hbm>>) target(%arg6 : memref<4x12288xf32, #tpu.memory_space<vmem>>) offsets(%dma_start3A_112 : memref<4xi32, #tpu.memory_space<vmem>>) semaphore(%arg8 : memref<!tpu.dma_semaphore, #tpu.memory_space<semaphore_mem>>)
      %add3A_116 = arith.constant 1 : i32
      %add3A_117 = arith.addi %mul3A_62, %add3A_116 : i32
      %mul3A_118 = arith.constant 4 : i32
      %mul3A_119 = arith.muli %add3A_117, %mul3A_118 : i32
      %add3A_120 = arith.addi %mul3A_2, %mul3A_119 : i32
      %dma_wait3A_121 = arith.constant 0 : i32
      %dma_wait3A_122 = tpu.memref_slice %arg4[%add3A_120, %dma_wait3A_121] : memref<4096x12288xf32, #tpu.memory_space<hbm>> -> memref<4x12288xf32, #tpu.memory_space<hbm>>
      %dma_wait3A_123 = arith.constant 0 : i32
      %dma_wait3A_124 = tpu.memref_slice %arg4[%add3A_120, %dma_wait3A_123] : memref<4096x12288xf32, #tpu.memory_space<hbm>> -> memref<4x12288xf32, #tpu.memory_space<hbm>>
      tpu.wait_dma2 semaphore(%arg11 : memref<!tpu.dma_semaphore, #tpu.memory_space<semaphore_mem>>) src(%arg7 : memref<4x12288xf32, #tpu.memory_space<vmem>>) dst(%dma_wait3A_124 : memref<4x12288xf32, #tpu.memory_space<hbm>>)
      %add3A_125 = arith.constant 2 : i32
      %add3A_126 = arith.addi %mul3A_62, %add3A_125 : i32
      %add3A_127 = arith.constant 1 : i32
      %add3A_128 = arith.addi %add3A_126, %add3A_127 : i32
      %dma_start3A_129 = arith.constant 0 : i32
      %dma_start3A_130 = tpu.memref_slice %arg5[%add3A_128, %dma_start3A_129] : memref<32x4xi32, #tpu.memory_space<vmem>> -> memref<1x4xi32, #tpu.memory_space<vmem>>
      %dma_start3A_131 = tpu.memref_squeeze %dma_start3A_130 : memref<1x4xi32, #tpu.memory_space<vmem>> -> memref<4xi32, #tpu.memory_space<vmem>>
      %dma_start3A_132 = arith.constant 0 : i32
      %dma_start3A_133 = arith.constant 0 : i32
      %dma_start3A_134 = tpu.memref_slice %arg2[%dma_start3A_132, %dma_start3A_133] : memref<1024x12288xf32, #tpu.memory_space<hbm>> -> memref<1024x12288xf32, #tpu.memory_space<hbm>>
      tpu.enqueue_indirect_dma source(%dma_start3A_134 : memref<1024x12288xf32, #tpu.memory_space<hbm>>) target(%arg7 : memref<4x12288xf32, #tpu.memory_space<vmem>>) offsets(%dma_start3A_131 : memref<4xi32, #tpu.memory_space<vmem>>) semaphore(%arg9 : memref<!tpu.dma_semaphore, #tpu.memory_space<semaphore_mem>>)
    }
    %scan3A_22 = arith.constant 15 : i32
    %dma_wait3A = arith.constant 30 : i32
    %dma_wait3A_23 = arith.constant 0 : i32
    %dma_wait3A_24 = tpu.memref_slice %arg5[%dma_wait3A, %dma_wait3A_23] : memref<32x4xi32, #tpu.memory_space<vmem>> -> memref<1x4xi32, #tpu.memory_space<vmem>>
    %dma_wait3A_25 = tpu.memref_squeeze %dma_wait3A_24 : memref<1x4xi32, #tpu.memory_space<vmem>> -> memref<4xi32, #tpu.memory_space<vmem>>
    %dma_wait3A_26 = arith.constant 0 : i32
    %dma_wait3A_27 = arith.constant 0 : i32
    %dma_wait3A_28 = tpu.memref_slice %arg2[%dma_wait3A_26, %dma_wait3A_27] : memref<1024x12288xf32, #tpu.memory_space<hbm>> -> memref<1024x12288xf32, #tpu.memory_space<hbm>>
    tpu.wait_indirect_dma semaphore(%arg8 : memref<!tpu.dma_semaphore, #tpu.memory_space<semaphore_mem>>) src(%dma_wait3A_28 : memref<1024x12288xf32, #tpu.memory_space<hbm>>) dst(%arg6 : memref<4x12288xf32, #tpu.memory_space<vmem>>)
    %add3A_29 = arith.constant 120 : i32
    %add3A_30 = arith.addi %mul3A_2, %add3A_29 : i32
    %dma_start3A_31 = arith.constant 0 : i32
    %dma_start3A_32 = tpu.memref_slice %arg4[%add3A_30, %dma_start3A_31] : memref<4096x12288xf32, #tpu.memory_space<hbm>> -> memref<4x12288xf32, #tpu.memory_space<hbm>>
    %dma_start3A_33 = arith.constant 0 : i32
    %dma_start3A_34 = tpu.memref_slice %arg4[%add3A_30, %dma_start3A_33] : memref<4096x12288xf32, #tpu.memory_space<hbm>> -> memref<4x12288xf32, #tpu.memory_space<hbm>>
    tpu.enqueue_dma source(%arg6 : memref<4x12288xf32, #tpu.memory_space<vmem>>) target(%dma_start3A_34 : memref<4x12288xf32, #tpu.memory_space<hbm>>) target_semaphore(%arg10 : memref<!tpu.dma_semaphore, #tpu.memory_space<semaphore_mem>>)
    %dma_wait3A_35 = arith.constant 31 : i32
    %dma_wait3A_36 = arith.constant 0 : i32
    %dma_wait3A_37 = tpu.memref_slice %arg5[%dma_wait3A_35, %dma_wait3A_36] : memref<32x4xi32, #tpu.memory_space<vmem>> -> memref<1x4xi32, #tpu.memory_space<vmem>>
    %dma_wait3A_38 = tpu.memref_squeeze %dma_wait3A_37 : memref<1x4xi32, #tpu.memory_space<vmem>> -> memref<4xi32, #tpu.memory_space<vmem>>
    %dma_wait3A_39 = arith.constant 0 : i32
    %dma_wait3A_40 = arith.constant 0 : i32
    %dma_wait3A_41 = tpu.memref_slice %arg2[%dma_wait3A_39, %dma_wait3A_40] : memref<1024x12288xf32, #tpu.memory_space<hbm>> -> memref<1024x12288xf32, #tpu.memory_space<hbm>>
    tpu.wait_indirect_dma semaphore(%arg9 : memref<!tpu.dma_semaphore, #tpu.memory_space<semaphore_mem>>) src(%dma_wait3A_41 : memref<1024x12288xf32, #tpu.memory_space<hbm>>) dst(%arg7 : memref<4x12288xf32, #tpu.memory_space<vmem>>)
    %add3A_42 = arith.constant 124 : i32
    %add3A_43 = arith.addi %mul3A_2, %add3A_42 : i32
    %dma_start3A_44 = arith.constant 0 : i32
    %dma_start3A_45 = tpu.memref_slice %arg4[%add3A_43, %dma_start3A_44] : memref<4096x12288xf32, #tpu.memory_space<hbm>> -> memref<4x12288xf32, #tpu.memory_space<hbm>>
    %dma_start3A_46 = arith.constant 0 : i32
    %dma_start3A_47 = tpu.memref_slice %arg4[%add3A_43, %dma_start3A_46] : memref<4096x12288xf32, #tpu.memory_space<hbm>> -> memref<4x12288xf32, #tpu.memory_space<hbm>>
    tpu.enqueue_dma source(%arg7 : memref<4x12288xf32, #tpu.memory_space<vmem>>) target(%dma_start3A_47 : memref<4x12288xf32, #tpu.memory_space<hbm>>) target_semaphore(%arg11 : memref<!tpu.dma_semaphore, #tpu.memory_space<semaphore_mem>>)
    %add3A_48 = arith.constant 120 : i32
    %add3A_49 = arith.addi %mul3A_2, %add3A_48 : i32
    %dma_wait3A_50 = arith.constant 0 : i32
    %dma_wait3A_51 = tpu.memref_slice %arg4[%add3A_49, %dma_wait3A_50] : memref<4096x12288xf32, #tpu.memory_space<hbm>> -> memref<4x12288xf32, #tpu.memory_space<hbm>>
    %dma_wait3A_52 = arith.constant 0 : i32
    %dma_wait3A_53 = tpu.memref_slice %arg4[%add3A_49, %dma_wait3A_52] : memref<4096x12288xf32, #tpu.memory_space<hbm>> -> memref<4x12288xf32, #tpu.memory_space<hbm>>
    tpu.wait_dma2 semaphore(%arg10 : memref<!tpu.dma_semaphore, #tpu.memory_space<semaphore_mem>>) src(%arg6 : memref<4x12288xf32, #tpu.memory_space<vmem>>) dst(%dma_wait3A_53 : memref<4x12288xf32, #tpu.memory_space<hbm>>)
    %add3A_54 = arith.constant 124 : i32
    %add3A_55 = arith.addi %mul3A_2, %add3A_54 : i32
    %dma_wait3A_56 = arith.constant 0 : i32
    %dma_wait3A_57 = tpu.memref_slice %arg4[%add3A_55, %dma_wait3A_56] : memref<4096x12288xf32, #tpu.memory_space<hbm>> -> memref<4x12288xf32, #tpu.memory_space<hbm>>
    %dma_wait3A_58 = arith.constant 0 : i32
    %dma_wait3A_59 = tpu.memref_slice %arg4[%add3A_55, %dma_wait3A_58] : memref<4096x12288xf32, #tpu.memory_space<hbm>> -> memref<4x12288xf32, #tpu.memory_space<hbm>>
    tpu.wait_dma2 semaphore(%arg11 : memref<!tpu.dma_semaphore, #tpu.memory_space<semaphore_mem>>) src(%arg7 : memref<4x12288xf32, #tpu.memory_space<vmem>>) dst(%dma_wait3A_59 : memref<4x12288xf32, #tpu.memory_space<hbm>>)
    return
  }
}

module attributes {stable_mosaic.version = 14 : i64} {
  func.func @_hash_body(%arg0: memref<4096x128xf32, #tpu.memory_space<vmem>>, %arg1: memref<4096x1xi32, #tpu.memory_space<vmem>>) attributes {dimension_semantics = [], scalar_prefetch = 0 : i64, scratch_operands = 0 : i64, tpu.core_type = #tpu.core_type<tc>} {
    %get3A = arith.constant 0 : index
    %get3A_0 = arith.constant 0 : index
    %get3A_1 = vector.load %arg0[%get3A, %get3A_0] : memref<4096x128xf32, #tpu.memory_space<vmem>>, vector<4096x128xf32>
    %slice3A = vector.extract_strided_slice %get3A_1 {offsets = [0, 0], sizes = [4096, 8], strides = [1, 1]} : vector<4096x128xf32> to vector<4096x8xf32>
    %slice3A_2 = vector.extract_strided_slice %get3A_1 {offsets = [0, 8], sizes = [4096, 8], strides = [1, 1]} : vector<4096x128xf32> to vector<4096x8xf32>
    %add3A = arith.addf %slice3A, %slice3A_2 : vector<4096x8xf32>
    %slice3A_3 = vector.extract_strided_slice %get3A_1 {offsets = [0, 16], sizes = [4096, 8], strides = [1, 1]} : vector<4096x128xf32> to vector<4096x8xf32>
    %add3A_4 = arith.addf %add3A, %slice3A_3 : vector<4096x8xf32>
    %slice3A_5 = vector.extract_strided_slice %get3A_1 {offsets = [0, 24], sizes = [4096, 8], strides = [1, 1]} : vector<4096x128xf32> to vector<4096x8xf32>
    %add3A_6 = arith.addf %add3A_4, %slice3A_5 : vector<4096x8xf32>
    %slice3A_7 = vector.extract_strided_slice %get3A_1 {offsets = [0, 32], sizes = [4096, 8], strides = [1, 1]} : vector<4096x128xf32> to vector<4096x8xf32>
    %add3A_8 = arith.addf %add3A_6, %slice3A_7 : vector<4096x8xf32>
    %slice3A_9 = vector.extract_strided_slice %get3A_1 {offsets = [0, 40], sizes = [4096, 8], strides = [1, 1]} : vector<4096x128xf32> to vector<4096x8xf32>
    %add3A_10 = arith.addf %add3A_8, %slice3A_9 : vector<4096x8xf32>
    %slice3A_11 = vector.extract_strided_slice %get3A_1 {offsets = [0, 48], sizes = [4096, 8], strides = [1, 1]} : vector<4096x128xf32> to vector<4096x8xf32>
    %add3A_12 = arith.addf %add3A_10, %slice3A_11 : vector<4096x8xf32>
    %slice3A_13 = vector.extract_strided_slice %get3A_1 {offsets = [0, 56], sizes = [4096, 8], strides = [1, 1]} : vector<4096x128xf32> to vector<4096x8xf32>
    %add3A_14 = arith.addf %add3A_12, %slice3A_13 : vector<4096x8xf32>
    %slice3A_15 = vector.extract_strided_slice %get3A_1 {offsets = [0, 64], sizes = [4096, 8], strides = [1, 1]} : vector<4096x128xf32> to vector<4096x8xf32>
    %add3A_16 = arith.addf %add3A_14, %slice3A_15 : vector<4096x8xf32>
    %slice3A_17 = vector.extract_strided_slice %get3A_1 {offsets = [0, 72], sizes = [4096, 8], strides = [1, 1]} : vector<4096x128xf32> to vector<4096x8xf32>
    %add3A_18 = arith.addf %add3A_16, %slice3A_17 : vector<4096x8xf32>
    %slice3A_19 = vector.extract_strided_slice %get3A_1 {offsets = [0, 80], sizes = [4096, 8], strides = [1, 1]} : vector<4096x128xf32> to vector<4096x8xf32>
    %add3A_20 = arith.addf %add3A_18, %slice3A_19 : vector<4096x8xf32>
    %slice3A_21 = vector.extract_strided_slice %get3A_1 {offsets = [0, 88], sizes = [4096, 8], strides = [1, 1]} : vector<4096x128xf32> to vector<4096x8xf32>
    %add3A_22 = arith.addf %add3A_20, %slice3A_21 : vector<4096x8xf32>
    %slice3A_23 = vector.extract_strided_slice %get3A_1 {offsets = [0, 96], sizes = [4096, 8], strides = [1, 1]} : vector<4096x128xf32> to vector<4096x8xf32>
    %add3A_24 = arith.addf %add3A_22, %slice3A_23 : vector<4096x8xf32>
    %slice3A_25 = vector.extract_strided_slice %get3A_1 {offsets = [0, 104], sizes = [4096, 8], strides = [1, 1]} : vector<4096x128xf32> to vector<4096x8xf32>
    %add3A_26 = arith.addf %add3A_24, %slice3A_25 : vector<4096x8xf32>
    %slice3A_27 = vector.extract_strided_slice %get3A_1 {offsets = [0, 112], sizes = [4096, 8], strides = [1, 1]} : vector<4096x128xf32> to vector<4096x8xf32>
    %add3A_28 = arith.addf %add3A_26, %slice3A_27 : vector<4096x8xf32>
    %slice3A_29 = vector.extract_strided_slice %get3A_1 {offsets = [0, 120], sizes = [4096, 8], strides = [1, 1]} : vector<4096x128xf32> to vector<4096x8xf32>
    %add3A_30 = arith.addf %add3A_28, %slice3A_29 : vector<4096x8xf32>
    %slice3A_31 = vector.extract_strided_slice %add3A_30 {offsets = [0, 0], sizes = [4096, 4], strides = [1, 1]} : vector<4096x8xf32> to vector<4096x4xf32>
    %slice3A_32 = vector.extract_strided_slice %add3A_30 {offsets = [0, 4], sizes = [4096, 4], strides = [1, 1]} : vector<4096x8xf32> to vector<4096x4xf32>
    %add3A_33 = arith.addf %slice3A_31, %slice3A_32 : vector<4096x4xf32>
    %slice3A_34 = vector.extract_strided_slice %add3A_33 {offsets = [0, 0], sizes = [4096, 2], strides = [1, 1]} : vector<4096x4xf32> to vector<4096x2xf32>
    %slice3A_35 = vector.extract_strided_slice %add3A_33 {offsets = [0, 2], sizes = [4096, 2], strides = [1, 1]} : vector<4096x4xf32> to vector<4096x2xf32>
    %add3A_36 = arith.addf %slice3A_34, %slice3A_35 : vector<4096x2xf32>
    %slice3A_37 = vector.extract_strided_slice %add3A_36 {offsets = [0, 0], sizes = [4096, 1], strides = [1, 1]} : vector<4096x2xf32> to vector<4096x1xf32>
    %slice3A_38 = vector.extract_strided_slice %add3A_36 {offsets = [0, 1], sizes = [4096, 1], strides = [1, 1]} : vector<4096x2xf32> to vector<4096x1xf32>
    %add3A_39 = arith.addf %slice3A_37, %slice3A_38 : vector<4096x1xf32>
    %mul3A = arith.constant 7.812500e-03 : f32
    %mul3A_40 = vector.broadcast %mul3A : f32 to vector<4096x1xf32>
    %mul3A_41 = arith.mulf %add3A_39, %mul3A_40 : vector<4096x1xf32>
    %mul3A_42 = arith.constant 1.000000e+02 : f32
    %mul3A_43 = vector.broadcast %mul3A_42 : f32 to vector<4096x1xf32>
    %mul3A_44 = arith.mulf %mul3A_41, %mul3A_43 : vector<4096x1xf32>
    %jit3A = arith.constant 1.000000e+00 : f32
    %rem3A = vector.broadcast %jit3A : f32 to vector<4096x1xf32>
    %rem3A_45 = arith.remf %mul3A_44, %rem3A : vector<4096x1xf32>
    %ne3A = arith.constant 0.000000e+00 : f32
    %ne3A_46 = vector.broadcast %ne3A : f32 to vector<4096x1xf32>
    %ne3A_47 = arith.cmpf one, %rem3A_45, %ne3A_46 : vector<4096x1xf32>
    %lt3A = arith.constant 0.000000e+00 : f32
    %lt3A_48 = vector.broadcast %lt3A : f32 to vector<4096x1xf32>
    %lt3A_49 = arith.cmpf olt, %rem3A_45, %lt3A_48 : vector<4096x1xf32>
    %lt3A_50 = arith.constant 0.000000e+00 : f32
    %lt3A_51 = arith.cmpf olt, %jit3A, %lt3A_50 : f32
    %ne3A_52 = vector.broadcast %lt3A_51 : i1 to vector<4096x1xi1>
    %ne3A_53 = vector.broadcast %ne3A_52 : vector<4096x1xi1> to vector<4096x1xi1>
    %ne3A_54 = arith.xori %lt3A_49, %ne3A_53 : vector<4096x1xi1>
    %and3A = arith.andi %ne3A_54, %ne3A_47 : vector<4096x1xi1>
    %add3A_55 = vector.broadcast %jit3A : f32 to vector<4096x1xf32>
    %add3A_56 = arith.addf %rem3A_45, %add3A_55 : vector<4096x1xf32>
    %select_n3A = arith.select %and3A, %add3A_56, %rem3A_45 : vector<4096x1xi1>, vector<4096x1xf32>
    %mul3A_57 = arith.constant 1.000000e+04 : f32
    %mul3A_58 = vector.broadcast %mul3A_57 : f32 to vector<4096x1xf32>
    %mul3A_59 = arith.mulf %select_n3A, %mul3A_58 : vector<4096x1xf32>
    %convert_element_type3A = arith.fptosi %mul3A_59 : vector<4096x1xf32> to vector<4096x1xi32>
    %convert_element_type3A_60 = arith.sitofp %convert_element_type3A : vector<4096x1xi32> to vector<4096x1xf32>
    %div3A = arith.constant 1.000000e+04 : f32
    %div3A_61 = vector.broadcast %div3A : f32 to vector<4096x1xf32>
    %div3A_62 = arith.divf %convert_element_type3A_60, %div3A_61 : vector<4096x1xf32>
    %mul3A_63 = arith.constant 1.024000e+03 : f32
    %mul3A_64 = vector.broadcast %mul3A_63 : f32 to vector<4096x1xf32>
    %mul3A_65 = arith.mulf %div3A_62, %mul3A_64 : vector<4096x1xf32>
    %convert_element_type3A_66 = arith.fptosi %mul3A_65 : vector<4096x1xf32> to vector<4096x1xi32>
    %swap3A = arith.constant 0 : index
    %swap3A_67 = arith.constant 0 : index
    %swap3A_68 = vector.load %arg1[%swap3A, %swap3A_67] : memref<4096x1xi32, #tpu.memory_space<vmem>>, vector<4096x1xi32>
    tpu.vector_store %arg1[%swap3A, %swap3A_67], %convert_element_type3A_66 {strides = array<i32>} : memref<4096x1xi32, #tpu.memory_space<vmem>>, vector<4096x1xi32>,
    return
  }
}

module attributes {stable_mosaic.version = 14 : i64} {
  func.func @_tanh_body(%arg0: i32, %arg1: memref<64x12288xf32, #tpu.memory_space<vmem>>, %arg2: memref<64x12288xf32, #tpu.memory_space<vmem>>) attributes {dimension_semantics = [#tpu.dimension_semantics<arbitrary>], iteration_bounds = array<i64: 16>, scalar_prefetch = 0 : i64, scratch_operands = 0 : i64, tpu.core_type = #tpu.core_type<tc>, window_params = [{transform_indices = @transform_0, window_bounds = array<i64: 64, 12288>}, {transform_indices = @transform_1, window_bounds = array<i64: 64, 12288>}]} {
    %get3A = arith.constant 0 : index
    %get3A_0 = arith.constant 0 : index
    %get3A_1 = vector.load %arg1[%get3A, %get3A_0] : memref<64x12288xf32, #tpu.memory_space<vmem>>, vector<64x12288xf32>
    %tanh3A = math.tanh %get3A_1 : vector<64x12288xf32>
    %swap3A = arith.constant 0 : index
    %swap3A_2 = arith.constant 0 : index
    %swap3A_3 = vector.load %arg2[%swap3A, %swap3A_2] : memref<64x12288xf32, #tpu.memory_space<vmem>>, vector<64x12288xf32>
    tpu.vector_store %arg2[%swap3A, %swap3A_2], %tanh3A {strides = array<i32>} : memref<64x12288xf32, #tpu.memory_space<vmem>>, vector<64x12288xf32>,
    return
  }
  func.func @transform_0(%arg0: i32) -> (i32, i32) {
    %c0_i32 = arith.constant 0 : i32
    %c0_i32_0 = arith.constant 0 : i32
    return %arg0, %c0_i32 : i32, i32
  }
  func.func @transform_1(%arg0: i32) -> (i32, i32) {
    %c0_i32 = arith.constant 0 : i32
    %c0_i32_0 = arith.constant 0 : i32
    return %arg0, %c0_i32 : i32, i32
  }
}

</mosaic_0001>

<sc_bundles>
// kernel: kernel.5.cloned.1.call-start
scs
__scs_entry_jumppad:
0x0: {  	(pc) =	sbr.rel $0x88, $3  }
0x1: {  	(tag) =	ssettag $0x0;
	lr =	simm.s32 $0x1  }
0x2: {  	[smem:$0x3F9F] =	sst lr;
	_ =	strace $0xD0000000  }
0x3: {  	_ = 	snop  }
0x4: {  	_ = 	snop  }
0x5: {  	_ = 	snop  }
0x6: {  	_ = 	snop  }
0x7: {  	_ = 	snop  }
__scs_overlays_trampoline_lowered:
0x8: {  	[smem:$0x3FAE] =	sst s0  }
0x9: {  	[smem:$0x3FAF] =	sst s1  }
0xa: {  	[smem:$0x3FB0] =	sst s2  }
0xb: {  	[smem:$0x3FB1] =	sst s3  }
0xc: {  	[smem:$0x3FB2] =	sst s4  }
0xd: {  	[smem:$0x3FB3] =	sst s5  }
0xe: {  	[smem:$0x3FB4] =	sst s6  }
0xf: {  	[smem:$0x3FB5] =	sst s7  }
0x10: {  	[smem:$0x3FB6] =	sst s8  }
0x11: {  	[smem:$0x3FB7] =	sst s9;
	s0 =	simm.s32 @!p0 $0x0  }
0x12: {  	s1 =	sld [smem:$0x3F9D];
	s0 =	simm.s32 @p0 $0x1  }
0x13: {  	[smem:$0x3FB8] =	sst s0;
	s0 =	simm.s32 @!p1 $0x0  }
0x14: {  	s2 =	sld [smem:$0x3F9C];
	s0 =	simm.s32 @p1 $0x1  }
0x15: {  	[smem:$0x3FB9] =	sst s0;
	s0 =	simm.s32 @!p2 $0x0  }
0x16: {  	s3 =	sld [smem:$0x3FDB];
	s0 =	simm.s32 @p2 $0x1  }
0x17: {  	s4 =	simm.s32 $0x1BF5;
	[smem:$0x3FBB] =	sst s0  }
0x18: {  	s0 =	sld [smem:$0x3F9E];
	_ =	swait.ge [sflag:s4], $0x0  }
0x19: {  	s7 =	sld [smem:$0x3F9F]  }
0x1a: {  	s8 =	sadd.s32 $0xFFFFE003, lr  }
0x1b: {  	s9 =	sadd.s32 $0xFFFFFEF7, lr;
	s5 =	simm.s32 $0xFFFFFFFF;
	p2 =	slt.u32 s8, $0xFFFFF086  }
0x1c: {  	p1 =	slt.u32 s9, $0xF7A;
	s5 =	simm.s32 @!p2 $0x0  }
0x1d: {  	s5 =	simm.s32 @p1 $0x1;
	p0 =	seq.s32 s7, s2  }
0x1e: {  	s7 =	smul.u32 @!p0 $0xF7A, s2;
	p2 =	seq.s32 @!p0 s5, $0x0  }
0x1f: {  	s9 =	smul.u32 $0xF7A, s1;
	s8 =	simm.s32 @!p0 $0x1BF5;
	p2 =	por !p2, p0  }
0x20: {  	[sflag:s8] =	ssyncset.s32 @!p0 $0xFFFFF086;
	s6 =	sadd.s32 @!p0 s3, s7;
	s7 =	simm.s32 @!p0 $0x108  }
0x21: {  	s3 =	sadd.s32 s3, s9;
	s6 =	sadd.s32 @!p0 $0x88, s6;
	s7 =	simm.s32 @p2 $0x1082  }
0x22: {  	[simem:s7], [sflag:s8] =	dma.local @!p0 [hbm:s6], $0xF7A  }
0x23: {  	s9 =	sor.u32 $0xD0000000, s2;
	s6 =	simm.s32 $0x108;
	_ =	swait.ge @!p0 [sflag:s8], $0x0  }
0x24: {  	s3 =	sadd.s32 $0x88, s3;
	s6 =	simm.s32 @!p1 $0x1082;
	[sflag:s4] =	ssyncset.s32 $0xFFFFF086  }
0x25: {  	[simem:s6], [sflag:s4] =	dma.local [hbm:s3], $0xF7A  }
0x26: {  	[smem:$0x3F9F] =	sst s1;
	(tag) =	ssettag s2;
	_ =	strace s9  }
0x27: {  	s1 =	sld [smem:$0x3FAF]  }
0x28: {  	s2 =	sld [smem:$0x3FB0]  }
0x29: {  	s4 =	sld [smem:$0x3FB2]  }
0x2a: {  	p0 =	seq.s32 s5, $0x0;
	s5 =	sld [smem:$0x3FB3]  }
0x2b: {  	s6 =	sld [smem:$0x3FB4]  }
0x2c: {  	s7 =	sld [smem:$0x3FB5]  }
0x2d: {  	s3 =	simm.s32 $0x108;
	s8 =	sld [smem:$0x3FB6]  }
0x2e: {  	s3 =	simm.s32 @!p0 $0x1082;
	s9 =	sld [smem:$0x3FB7]  }
0x2f: {  	lr =	sadd.s32 s0, s3;
	s0 =	sld [smem:$0x3FAE]  }
0x30: {  	s3 =	sld [smem:$0x3FB1]  }
0x31: {  	[smem:$0x3FBA] =	sst s10  }
0x32: {  	s10 =	sld [smem:$0x3FB8];
	_ =	sdelay $0x3  }
0x33: {  	p0 =	seq.s32 s10, $0x1;
	s10 =	sld [smem:$0x3FBA];
	_ =	sdelay $0x3  }
0x34: {  	[smem:$0x3FBA] =	sst s10  }
0x35: {  	s10 =	sld [smem:$0x3FB9];
	_ =	sdelay $0x3  }
0x36: {  	p1 =	seq.s32 s10, $0x1;
	s10 =	sld [smem:$0x3FBA];
	_ =	sdelay $0x3  }
0x37: {  	[smem:$0x3FBA] =	sst s10  }
0x38: {  	s10 =	sld [smem:$0x3FBB]  }
0x39: {  	_ = 	snop;
	(pc) =	sbr.ind lr, $3  }
0x3a: {  	_ = 	snop  }
0x3b: {  	_ = 	snop  }
0x3c: {  	p2 =	seq.s32 s10, $0x1;
	s10 =	sld [smem:$0x3FBA]  }
0x3d: {  	_ =	shalt  }
0x3e: {  	_ =	shalt  }
0x3f: {  	_ =	shalt  }
0x40: {  	_ =	shalt  }
0x41: {  	_ =	shalt  }
0x42: {  	_ =	shalt  }
0x43: {  	_ =	shalt  }
0x44: {  	_ =	shalt  }
0x45: {  	_ =	shalt  }
0x46: {  	_ =	shalt  }
0x47: {  	_ =	shalt  }
0x48: {  	_ =	shalt  }
0x49: {  	_ =	shalt  }
0x4a: {  	_ =	shalt  }
0x4b: {  	_ =	shalt  }
0x4c: {  	_ =	shalt  }
0x4d: {  	_ =	shalt  }
0x4e: {  	_ =	shalt  }
0x4f: {  	_ =	shalt  }
0x50: {  	_ =	shalt  }
0x51: {  	_ =	shalt  }
0x52: {  	_ =	shalt  }
0x53: {  	_ =	shalt  }
0x54: {  	_ =	shalt  }
0x55: {  	_ =	shalt  }
0x56: {  	_ =	shalt  }
0x57: {  	_ =	shalt  }
0x58: {  	_ =	shalt  }
0x59: {  	_ =	shalt  }
0x5a: {  	_ =	shalt  }
0x5b: {  	_ =	shalt  }
0x5c: {  	_ =	shalt  }
0x5d: {  	_ =	shalt  }
0x5e: {  	_ =	shalt  }
0x5f: {  	_ =	shalt  }
0x60: {  	_ =	shalt  }
0x61: {  	_ =	shalt  }
0x62: {  	_ =	shalt  }
0x63: {  	_ =	shalt  }
0x64: {  	_ =	shalt  }
0x65: {  	_ =	shalt  }
0x66: {  	_ =	shalt  }
0x67: {  	_ =	shalt  }
0x68: {  	_ =	shalt  }
0x69: {  	_ =	shalt  }
0x6a: {  	_ =	shalt  }
0x6b: {  	_ =	shalt  }
0x6c: {  	_ =	shalt  }
0x6d: {  	_ =	shalt  }
0x6e: {  	_ =	shalt  }
0x6f: {  	_ =	shalt  }
0x70: {  	_ =	shalt  }
0x71: {  	_ =	shalt  }
0x72: {  	_ =	shalt  }
0x73: {  	_ =	shalt  }
0x74: {  	_ =	shalt  }
0x75: {  	_ =	shalt  }
0x76: {  	_ =	shalt  }
0x77: {  	_ =	shalt  }
0x78: {  	_ =	shalt  }
0x79: {  	_ =	shalt  }
0x7a: {  	_ =	shalt  }
0x7b: {  	_ =	shalt  }
0x7c: {  	_ =	shalt  }
0x7d: {  	_ =	shalt  }
0x7e: {  	_ =	shalt  }
0x7f: {  	_ =	shalt  }
0x80: {  	_ =	shalt  }
0x81: {  	_ =	shalt  }
0x82: {  	_ =	shalt  }
0x83: {  	_ =	shalt  }
0x84: {  	_ =	shalt  }
0x85: {  	_ =	shalt  }
0x86: {  	_ =	shalt  }
0x87: {  	_ =	shalt  }
.Lfunc_end0:
.L_simem_size_0:
called_computation_lowered:
.L_overlay_start_0:
0x88: {  	s2 =	sld [smem:$0x3FD9]  }
0x89: {  	s3 =	sld [smem:$0x3FFE];
	_ =	sdelay $0x1  }
0x8a: {  	s1 =	srdreg.scid  }
0x8b: {  	s0 =	sand.u32 $0x1, s1  }
0x8c: {  	s16 =	sshll.u32 s0, $0xA;
	s2 =	sadd.s32 s3, s2  }
0x8d: {  	s2 =	sadd.s32 s2, s16  }
0x8e: {  	[smem:$0x3FC6] =	sst s2  }
0x8f: {  	_ = 	snop  }
0x90: {  	(tm) =	ssettm $0x1  }
0x91: {  	s17 =	sld [smem:$0x3FFB];
	_ =	sdelay $0x3  }
0x92: {  	_ =	strace s17  }
0x93: {  	s2 =	sld [smem:$0x3FFC];
	_ =	sdelay $0x3  }
0x94: {  	_ =	strace s2  }
0x95: {  	s2 =	sld [smem:$0x3FFD];
	_ =	sdelay $0x3  }
0x96: {  	_ =	strace s2  }
0x97: {  	_ =	strace $0x8FFFFFFF  }
0x98: {  	s18 =	sld [smem:$0x3FDB];
	_ =	sdelay $0x1  }
0x99: {  	s19 =	simm.s32 $_scs_section_size  }
0x9a: {  	s4 =	simm.s32 $_size__tile_overlayer_lowered;
	s5 =	simm.s32 $_tile_overlayer_lowered  }
0x9b: {  	s22 =	simm.s32 $0x1BFF;
	s21 =	sshll.u32 s5, $0x1;
	s2 =	sadd.s32 s19, s18  }
0x9c: {  	s6 =	simm.s32 $0x0;
	s20 =	sshll.u32 s4, $0x1;
	s4 =	sadd.s32 s21, s2  }
0x9d: {  	[timem:s6], [sflag:s22] =	dma.local [hbm:s4], s20  }
0x9e: {  	_ =	swait.ge [sflag:s22], s20  }
0x9f: {  	s3 =	ssub.s32 $0x0, s20;
	[sflag:s22] =	ssyncset.done $0x0  }
0xa0: {  	[sflag:s22] =	ssyncadd.s32 s3;
	_ =	sdelay $0x1  }
0xa1: {  	s23 =	simm.s32 $0x1B8B  }
0xa2: {  	_ =	swait.ge [sflag:s23], $0x1  }
0xa3: {  	[sflag:s23] =	ssyncset.done $0x0  }
0xa4: {  	s25 =	simm.s32 $0x1B8E;
	s24 =	sld [smem:$0x3FFE];
	[sflag:s23] =	ssyncadd.s32 $0xFFFFFFFF  }
0xa5: {  	s26 =	simm.s32 $execute0_lowered;
	[smem:$0x3FD2] =	sst s25  }
0xa6: {  	s4 =	sshll.u32 s26, $0x1;
	_ =	strace $0x80000046;
	[dreg:$0x1] =	wrdreg $0xFFFFFFFF  }
0xa7: {  	s28 =	simm.s32 $_size_execute0_lowered;
	s2 =	sadd.s32 s2, s4;
	[dreg:$0x0] =	wrdreg $0x0  }
0xa8: {  	s4 =	sshll.u32 s28, $0x1;
	[dreg:$0x2] =	wrdreg s2  }
0xa9: {  	[dreg:$0x3] =	wrdreg s4  }
0xaa: {  	[dreg:$0x4] =	wrdreg $0xC0  }
0xab: {  	_ =	task [dreg:s6], $0x5FFFF  }
0xac: {  	[dreg:$0x1] =	wrdreg $0xFFFFFFFF  }
0xad: {  	[dreg:$0x0] =	wrdreg $0x60  }
0xae: {  	[dreg:$0x2] =	wrdreg s24  }
0xaf: {  	[dreg:$0x3] =	wrdreg $0x9  }
0xb0: {  	_ =	task.clear_ibuf [dreg:s6], $0x4FFFF;
	_ =	strace $0x90000046  }
0xb1: {  	s29 =	simm.s32 $0x9;
	_ =	strace $0x80000048  }
0xb2: {  	_ =	swait.ge [sflag:s29], $0x1  }
0xb3: {  	[sflag:s29] =	ssyncadd.s32 $0xFFFFFFFF  }
0xb4: {  	_ =	strace $0x90000048  }
0xb5: {  	_ =	sfence  }
0xb6: {  	s30 =	sld [smem:$0x0];
	_ =	sdelay $0x2  }
0xb7: {  	s31 =	sshll.u32 s1, $0xD;
	s1 =	sshrl.u32 s1, $0x2  }
0xb8: {  	s3 =	sand.u32 $0x4000, s31;
	s1 =	sadd.s32 s1, s30  }
0xb9: {  	s0 =	sor.u32 s3, s0;
	s1 =	sshll.u32 s1, $0x11  }
0xba: {  	s0 =	sor.u32 s1, s0  }
0xbb: {  	s0 =	sadd.s32 $0x8F2B, s0  }
0xbc: {  	[sflag:s0] =	ssyncadd.remote.s32 $0x1  }
0xbd: {  	_ =	sfence.sel $0xFFFF  }
0xbe: {  	[dreg:$0x0] =	wrdreg $0xFFFFFFFF;
	(pc) =	sbr.abs _section_cstart, $3  }
0xbf: {  	[dreg:$0x1] =	wrdreg $0xFFFFFFFF  }
0xc0: {  	_ =	task.clear_ibuf [dreg:s6], $0x2FFFF;
	_ =	strace $0x9FFFFFFF  }
0xc1: {  	(tm) =	ssettm $0x7FFFFFFF  }
tec
execute0_lowered:
.L_overlay_start_1:
0x0: {  	(tag) =	ssettag $0x1  }
0x1: {  	s0 =	rddreg [dreg:$0x0];
	s2 =	simm.s32 $0x0;
	s1 =	srdreg.scid  }
0x2: {  	s17 =	stileid.u32;
	s28 =	simm.s32 $0x2000;
	s31 =	simm.s32 $0xD000  }
0x3: {  	[smem:$0x7FF] =	sst s2;
	s1 =	sand.u32 $0x1, s1;
	s3 =	sshll.u32 s17, $0x1  }
0x4: {  	s20 =	sadd.s32 $0x184200, s0;
	s8 =	sadd.s32 $0x4A00, s0;
	s9 =	sadd.s32 $0x4C00, s0  }
0x5: {  	s10 =	sadd.s32 $0x4E00, s0;
	s11 =	sadd.s32 $0x5000, s0;
	s12 =	sadd.s32 $0x5200, s0  }
0x6: {  	s13 =	sadd.s32 $0x5400, s0;
	s14 =	sadd.s32 $0x5600, s0;
	s15 =	sadd.s32 $0x5800, s0  }
0x7: {  	s16 =	sadd.s32 $0x5A00, s0;
	s22 =	smul.u32 $0x60000, s17;
	s18 =	sadd.s32 $0x5C00, s0  }
0x8: {  	s19 =	sadd.s32 $0x5E00, s0;
	s30 =	sadd.s32 $0x6000, s0;
	s23 =	sadd.s32 $0x6600, s0  }
0x9: {  	s24 =	sadd.s32 $0x6800, s0;
	s29 =	sadd.s32 $0x6A00, s0;
	s17 =	sadd.s32 $0x6C00, s0  }
0xa: {  	s25 =	sadd.s32 $0x6E00, s0;
	_ =	strace $0x80000047;
	[dreg:$0x8] =	wrdreg s17  }
0xb: {  	s4 =	sor.u32 s1, s3;
	s5 =	ssub.s32 $0x2, s1;
	[dreg:$0xa] =	wrdreg s29  }
0xc: {  	s3 =	sadd.s32 $0x4200, s0;
	s1 =	smul.u32 $0x30000, s1;
	[dreg:$0xb] =	wrdreg s25  }
0xd: {  	s6 =	sshll.u32 s4, $0x9;
	s7 =	sshrl.u32 s5, $0x1;
	s4 =	smul.u32 $0x180000, s4  }
0xe: {  	s22 =	sadd.s32 s22, s20;
	s6 =	sadd.s32 s6, s0;
	s21 =	ssub.s32 s5, s7  }
0xf: {  	s5 =	sadd.s32 $0x4400, s0;
	s7 =	sadd.s32 $0x4800, s0;
	s1 =	sadd.s32 s1, s22  }
0x10: {  	s22 =	sadd.s32 $0x6400, s0;
	s26 =	sadd.s32 $0x200, s6;
	[dreg:$0x3] =	wrdreg s1  }
0x11: {  	s4 =	sshrl.u32 s4, $0x3;
	s21 =	smax.u32 s21, $0x1;
	[dreg:$0x2] =	wrdreg s26  }
0x12: {  	s4 =	sadd.s32 s20, s4;
	s26 =	sadd.s32 $0x7000, s0;
	[dreg:$0x6] =	wrdreg s21  }
0x13: {  	s6 =	sadd.s32 $0x4600, s0;
	s1 =	sadd.s32 $0x2D000, s4;
	[dreg:$0x9] =	wrdreg s26  }
0x14: {  	v0 =	vlaneseq.u32;
	s20 =	sadd.s32 $0x6200, s0;
	s4 =	sadd.s32 $0x2D040, s4;
	[dreg:$0x4] =	wrdreg s1  }
0x15: {  	v1 =	vshrl.u32 v0, $0x2;
	s21 =	simm.s32 $0x2800;
	[dreg:$0x5] =	wrdreg s4;
	s1 =	simm.s32 $0x0  }
0x16: {  	vm0 =	vmmov $0xffff;
	v0 =	vand.u32 $0x3, v0;
	v1 =	vmul.u32 $0x8, v1;
	s0 =	simm.s32 $0xD800;
	s4 =	simm.s32 $0x1800;
	[dreg:$0x7] =	wrdreg s1  }
.LBB2_1:
0x17: {  	s1 =	rddreg [dreg:$0x2]  }
0x18: {  	[tilespmem:s2], [sflag:$0x5] =	stream.linear.gather [hbm4b:s1+s2], $0x1000, $0x38;
	[tilespmem:$0x19000] =	vst v63  }
0x19: {  	s1 =	simm.s32 $0x5  }
0x1a: {  	_ =	swait.ge [sflag:s1], $0x1000  }
0x1b: {  	[sflag:s1] =	ssyncset.done $0x0  }
0x1c: {  	[sflag:s1] =	ssyncadd.s32 $0xFFFFF000  }
0x1d: {  	v2 =	vld.msk [tilespmem:$0x0], $0xf;
	_ =	sdelay $0x4  }
0x1e: {  	v3 =	vshrl.u32 v2, $0x3  }
0x1f: {  	v3 =	vmul.u32 $0x300, v3  }
0x20: {  	v2 =	vand.u32 $0x7, v2  }
0x21: {  	v2 =	vor.u32 v2, v3  }
0x22: {  	v2 =	vperm.xlane v2, v0;
	_ =	sdelay $0x1  }
0x23: {  	v2 =	vadd.s32 v1, v2;
	_ =	sdelay $0x3  }
0x24: {  	s1 =	simm.s32 $0x1000  }
0x25: {  	[tilespmem:s1], [sflag:$0x1] =	stream.indirect_vreg.gather [hbm4b:s3+s2], $0x80, v2, vm0, $0xb8;
	[tilespmem:$0x19000] =	vst v63  }
0x26: {  	_ = 	snop  }
0x27: {  	[tilespmem:s4], [sflag:$0x1] =	stream.indirect_vreg.gather [hbm4b:s5+s2], $0x80, v2, vm0, $0xb8;
	[tilespmem:$0x19000] =	vst v63  }
0x28: {  	_ = 	snop  }
0x29: {  	[tilespmem:s28], [sflag:$0x1] =	stream.indirect_vreg.gather [hbm4b:s6+s2], $0x80, v2, vm0, $0xb8;
	[tilespmem:$0x19000] =	vst v63  }
0x2a: {  	_ = 	snop  }
0x2b: {  	[tilespmem:s21], [sflag:$0x1] =	stream.indirect_vreg.gather [hbm4b:s7+s2], $0x80, v2, vm0, $0xb8;
	[tilespmem:$0x19000] =	vst v63  }
0x2c: {  	s21 =	simm.s32 $0x3000  }
0x2d: {  	[tilespmem:s21], [sflag:$0x1] =	stream.indirect_vreg.gather [hbm4b:s8+s2], $0x80, v2, vm0, $0xb8;
	[tilespmem:$0x19000] =	vst v63  }
0x2e: {  	s28 =	simm.s32 $0x3800  }
0x2f: {  	[tilespmem:s28], [sflag:$0x1] =	stream.indirect_vreg.gather [hbm4b:s9+s2], $0x80, v2, vm0, $0xb8;
	[tilespmem:$0x19000] =	vst v63  }
0x30: {  	s4 =	simm.s32 $0x4000  }
0x31: {  	[tilespmem:s4], [sflag:$0x1] =	stream.indirect_vreg.gather [hbm4b:s10+s2], $0x80, v2, vm0, $0xb8;
	[tilespmem:$0x19000] =	vst v63  }
0x32: {  	s21 =	simm.s32 $0x4800  }
0x33: {  	[tilespmem:s21], [sflag:$0x1] =	stream.indirect_vreg.gather [hbm4b:s11+s2], $0x80, v2, vm0, $0xb8;
	[tilespmem:$0x19000] =	vst v63  }
0x34: {  	s28 =	simm.s32 $0x5000  }
0x35: {  	[tilespmem:s28], [sflag:$0x1] =	stream.indirect_vreg.gather [hbm4b:s12+s2], $0x80, v2, vm0, $0xb8;
	[tilespmem:$0x19000] =	vst v63  }
0x36: {  	s4 =	simm.s32 $0x5800  }
0x37: {  	[tilespmem:s4], [sflag:$0x1] =	stream.indirect_vreg.gather [hbm4b:s13+s2], $0x80, v2, vm0, $0xb8;
	[tilespmem:$0x19000] =	vst v63  }
0x38: {  	s21 =	simm.s32 $0x6000  }
0x39: {  	[tilespmem:s21], [sflag:$0x1] =	stream.indirect_vreg.gather [hbm4b:s14+s2], $0x80, v2, vm0, $0xb8;
	[tilespmem:$0x19000] =	vst v63  }
0x3a: {  	s28 =	simm.s32 $0x6800  }
0x3b: {  	[tilespmem:s28], [sflag:$0x1] =	stream.indirect_vreg.gather [hbm4b:s15+s2], $0x80, v2, vm0, $0xb8;
	[tilespmem:$0x19000] =	vst v63  }
0x3c: {  	s4 =	simm.s32 $0x7000  }
0x3d: {  	[tilespmem:s4], [sflag:$0x1] =	stream.indirect_vreg.gather [hbm4b:s16+s2], $0x80, v2, vm0, $0xb8;
	[tilespmem:$0x19000] =	vst v63  }
0x3e: {  	s21 =	simm.s32 $0x7800  }
0x3f: {  	[tilespmem:s21], [sflag:$0x1] =	stream.indirect_vreg.gather [hbm4b:s18+s2], $0x80, v2, vm0, $0xb8;
	[tilespmem:$0x19000] =	vst v63  }
0x40: {  	s28 =	simm.s32 $0x8000  }
0x41: {  	[tilespmem:s28], [sflag:$0x1] =	stream.indirect_vreg.gather [hbm4b:s19+s2], $0x80, v2, vm0, $0xb8;
	[tilespmem:$0x19000] =	vst v63  }
0x42: {  	s4 =	simm.s32 $0x8800  }
0x43: {  	[tilespmem:s4], [sflag:$0x1] =	stream.indirect_vreg.gather [hbm4b:s30+s2], $0x80, v2, vm0, $0xb8;
	[tilespmem:$0x19000] =	vst v63  }
0x44: {  	s21 =	simm.s32 $0x9000  }
0x45: {  	[tilespmem:s21], [sflag:$0x1] =	stream.indirect_vreg.gather [hbm4b:s20+s2], $0x80, v2, vm0, $0xb8;
	[tilespmem:$0x19000] =	vst v63  }
0x46: {  	s28 =	simm.s32 $0x9800  }
0x47: {  	[tilespmem:s28], [sflag:$0x1] =	stream.indirect_vreg.gather [hbm4b:s22+s2], $0x80, v2, vm0, $0xb8;
	[tilespmem:$0x19000] =	vst v63  }
0x48: {  	s4 =	simm.s32 $0xA000  }
0x49: {  	[tilespmem:s4], [sflag:$0x1] =	stream.indirect_vreg.gather [hbm4b:s23+s2], $0x80, v2, vm0, $0xb8;
	[tilespmem:$0x19000] =	vst v63  }
0x4a: {  	s21 =	simm.s32 $0xA800  }
0x4b: {  	[tilespmem:s21], [sflag:$0x1] =	stream.indirect_vreg.gather [hbm4b:s24+s2], $0x80, v2, vm0, $0xb8;
	[tilespmem:$0x19000] =	vst v63  }
0x4c: {  	s28 =	simm.s32 $0xB000  }
0x4d: {  	[tilespmem:s28], [sflag:$0x1] =	stream.indirect_vreg.gather [hbm4b:s29+s2], $0x80, v2, vm0, $0xb8;
	[tilespmem:$0x19000] =	vst v63  }
0x4e: {  	s4 =	simm.s32 $0xB800  }
0x4f: {  	[tilespmem:s4], [sflag:$0x1] =	stream.indirect_vreg.gather [hbm4b:s17+s2], $0x80, v2, vm0, $0xb8;
	[tilespmem:$0x19000] =	vst v63  }
0x50: {  	s21 =	simm.s32 $0xC000  }
0x51: {  	[tilespmem:s21], [sflag:$0x1] =	stream.indirect_vreg.gather [hbm4b:s25+s2], $0x80, v2, vm0, $0xb8;
	[tilespmem:$0x19000] =	vst v63  }
0x52: {  	s28 =	simm.s32 $0xC800  }
0x53: {  	[tilespmem:s28], [sflag:$0x1] =	stream.indirect_vreg.gather [hbm4b:s26+s2], $0x80, v2, vm0, $0xb8;
	[tilespmem:$0x19000] =	vst v63  }
0x54: {  	v2 =	vld.msk [tilespmem:$0x80], $0xf;
	_ =	sdelay $0x4  }
0x55: {  	v3 =	vshrl.u32 v2, $0x3  }
0x56: {  	v3 =	vmul.u32 $0x300, v3  }
0x57: {  	v2 =	vand.u32 $0x7, v2  }
0x58: {  	v2 =	vor.u32 v2, v3  }
0x59: {  	v2 =	vperm.xlane v2, v0;
	_ =	sdelay $0x1  }
0x5a: {  	v2 =	vadd.s32 v1, v2;
	_ =	sdelay $0x4  }
0x5b: {  	[tilespmem:s31], [sflag:$0x2] =	stream.indirect_vreg.gather [hbm4b:s3+s2], $0x80, v2, vm0, $0xb8;
	[tilespmem:$0x19000] =	vst v63  }
0x5c: {  	_ = 	snop  }
0x5d: {  	[tilespmem:s0], [sflag:$0x2] =	stream.indirect_vreg.gather [hbm4b:s5+s2], $0x80, v2, vm0, $0xb8;
	[tilespmem:$0x19000] =	vst v63  }
0x5e: {  	s31 =	simm.s32 $0xE000  }
0x5f: {  	[tilespmem:s31], [sflag:$0x2] =	stream.indirect_vreg.gather [hbm4b:s6+s2], $0x80, v2, vm0, $0xb8;
	[tilespmem:$0x19000] =	vst v63  }
0x60: {  	s1 =	simm.s32 $0xE800  }
0x61: {  	[tilespmem:s1], [sflag:$0x2] =	stream.indirect_vreg.gather [hbm4b:s7+s2], $0x80, v2, vm0, $0xb8;
	[tilespmem:$0x19000] =	vst v63  }
0x62: {  	s4 =	simm.s32 $0xF000  }
0x63: {  	[tilespmem:s4], [sflag:$0x2] =	stream.indirect_vreg.gather [hbm4b:s8+s2], $0x80, v2, vm0, $0xb8;
	[tilespmem:$0x19000] =	vst v63  }
0x64: {  	s21 =	simm.s32 $0xF800  }
0x65: {  	[tilespmem:s21], [sflag:$0x2] =	stream.indirect_vreg.gather [hbm4b:s9+s2], $0x80, v2, vm0, $0xb8;
	[tilespmem:$0x19000] =	vst v63  }
0x66: {  	s28 =	simm.s32 $0x10000  }
0x67: {  	[tilespmem:s28], [sflag:$0x2] =	stream.indirect_vreg.gather [hbm4b:s10+s2], $0x80, v2, vm0, $0xb8;
	[tilespmem:$0x19000] =	vst v63  }
0x68: {  	s31 =	simm.s32 $0x10800  }
0x69: {  	[tilespmem:s31], [sflag:$0x2] =	stream.indirect_vreg.gather [hbm4b:s11+s2], $0x80, v2, vm0, $0xb8;
	[tilespmem:$0x19000] =	vst v63  }
0x6a: {  	s1 =	simm.s32 $0x11000  }
0x6b: {  	[tilespmem:s1], [sflag:$0x2] =	stream.indirect_vreg.gather [hbm4b:s12+s2], $0x80, v2, vm0, $0xb8;
	[tilespmem:$0x19000] =	vst v63  }
0x6c: {  	s4 =	simm.s32 $0x11800  }
0x6d: {  	[tilespmem:s4], [sflag:$0x2] =	stream.indirect_vreg.gather [hbm4b:s13+s2], $0x80, v2, vm0, $0xb8;
	[tilespmem:$0x19000] =	vst v63  }
0x6e: {  	s21 =	simm.s32 $0x12000  }
0x6f: {  	[tilespmem:s21], [sflag:$0x2] =	stream.indirect_vreg.gather [hbm4b:s14+s2], $0x80, v2, vm0, $0xb8;
	[tilespmem:$0x19000] =	vst v63  }
0x70: {  	s28 =	simm.s32 $0x12800  }
0x71: {  	[tilespmem:s28], [sflag:$0x2] =	stream.indirect_vreg.gather [hbm4b:s15+s2], $0x80, v2, vm0, $0xb8;
	[tilespmem:$0x19000] =	vst v63  }
0x72: {  	s31 =	simm.s32 $0x13000  }
0x73: {  	[tilespmem:s31], [sflag:$0x2] =	stream.indirect_vreg.gather [hbm4b:s16+s2], $0x80, v2, vm0, $0xb8;
	[tilespmem:$0x19000] =	vst v63  }
0x74: {  	s1 =	simm.s32 $0x13800  }
0x75: {  	[tilespmem:s1], [sflag:$0x2] =	stream.indirect_vreg.gather [hbm4b:s18+s2], $0x80, v2, vm0, $0xb8;
	[tilespmem:$0x19000] =	vst v63  }
0x76: {  	s4 =	simm.s32 $0x14000  }
0x77: {  	[tilespmem:s4], [sflag:$0x2] =	stream.indirect_vreg.gather [hbm4b:s19+s2], $0x80, v2, vm0, $0xb8;
	[tilespmem:$0x19000] =	vst v63  }
0x78: {  	s21 =	simm.s32 $0x14800  }
0x79: {  	[tilespmem:s21], [sflag:$0x2] =	stream.indirect_vreg.gather [hbm4b:s30+s2], $0x80, v2, vm0, $0xb8;
	[tilespmem:$0x19000] =	vst v63  }
0x7a: {  	s28 =	simm.s32 $0x15000  }
0x7b: {  	[tilespmem:s28], [sflag:$0x2] =	stream.indirect_vreg.gather [hbm4b:s20+s2], $0x80, v2, vm0, $0xb8;
	[tilespmem:$0x19000] =	vst v63  }
0x7c: {  	s31 =	simm.s32 $0x15800  }
0x7d: {  	[tilespmem:s31], [sflag:$0x2] =	stream.indirect_vreg.gather [hbm4b:s22+s2], $0x80, v2, vm0, $0xb8;
	[tilespmem:$0x19000] =	vst v63  }
0x7e: {  	s1 =	simm.s32 $0x16000  }
0x7f: {  	[tilespmem:s1], [sflag:$0x2] =	stream.indirect_vreg.gather [hbm4b:s23+s2], $0x80, v2, vm0, $0xb8;
	[tilespmem:$0x19000] =	vst v63  }
0x80: {  	s4 =	simm.s32 $0x16800  }
0x81: {  	[tilespmem:s4], [sflag:$0x2] =	stream.indirect_vreg.gather [hbm4b:s24+s2], $0x80, v2, vm0, $0xb8;
	[tilespmem:$0x19000] =	vst v63  }
0x82: {  	s21 =	simm.s32 $0x17000  }
0x83: {  	[tilespmem:s21], [sflag:$0x2] =	stream.indirect_vreg.gather [hbm4b:s29+s2], $0x80, v2, vm0, $0xb8;
	[tilespmem:$0x19000] =	vst v63  }
0x84: {  	s28 =	simm.s32 $0x17800  }
0x85: {  	[tilespmem:s28], [sflag:$0x2] =	stream.indirect_vreg.gather [hbm4b:s17+s2], $0x80, v2, vm0, $0xb8;
	[tilespmem:$0x19000] =	vst v63  }
0x86: {  	s29 =	simm.s32 $0x18000  }
0x87: {  	[tilespmem:s29], [sflag:$0x2] =	stream.indirect_vreg.gather [hbm4b:s25+s2], $0x80, v2, vm0, $0xb8;
	[tilespmem:$0x19000] =	vst v63  }
0x88: {  	s31 =	simm.s32 $0x18800;
	s1 =	rddreg [dreg:$0x3];
	s21 =	simm.s32 $0x0  }
0x89: {  	[tilespmem:s31], [sflag:$0x2] =	stream.indirect_vreg.gather [hbm4b:s26+s2], $0x80, v2, vm0, $0xb8;
	[tilespmem:$0x19000] =	vst v63  }
.LBB2_2:
0x8a: {  	s0 =	simm.s32 $0x1  }
0x8b: {  	s4 =	simm.s32 $0x1000;
	s17 =	simm.s32 $0x400;
	s25 =	simm.s32 $0x200  }
0x8c: {  	s29 =	simm.s32 $0x2;
	s31 =	smov.u32 s16;
	_ =	swait.ge [sflag:s0], $0xC000  }
0x8d: {  	s16 =	smov.u32 s15;
	s15 =	smov.u32 s14;
	[sflag:s0] =	ssyncset.done $0x0  }
0x8e: {  	s14 =	smov.u32 s13;
	s13 =	smov.u32 s12;
	[sflag:s0] =	ssyncadd.s32 $0xFFFF4000  }
0x8f: {  	[hbm4b:s1+s25] =	stream.strided.scatter [tilespmem:s4], [sflag:$0x3], $0xC000, s17, s25, $0x38;
	[tilespmem:$0x19000] =	vst v63  }
0x90: {  	s12 =	smov.u32 s11;
	s11 =	smov.u32 s10;
	_ =	swait.ge [sflag:s29], $0xC000  }
0x91: {  	s10 =	smov.u32 s9;
	s26 =	sadd.s32 $0x40, s1;
	[sflag:s29] =	ssyncset.done $0x0  }
0x92: {  	s28 =	simm.s32 $0x3;
	s0 =	simm.s32 $0xD000;
	[sflag:s29] =	ssyncadd.s32 $0xFFFF4000  }
0x93: {  	[hbm4b:s26+s25] =	stream.strided.scatter [tilespmem:s0], [sflag:$0x4], $0xC000, s17, s25, $0x38;
	[tilespmem:$0x19000] =	vst v63  }
0x94: {  	s9 =	smov.u32 s8;
	s8 =	smov.u32 s7;
	_ =	swait.ge [sflag:s28], $0xC000  }
0x95: {  	s7 =	smov.u32 s6;
	s6 =	smov.u32 s5;
	[sflag:s28] =	ssyncset.done $0x0  }
0x96: {  	s5 =	smov.u32 s3;
	s3 =	sshra.s32 s21, $0x2;
	[sflag:s28] =	ssyncadd.s32 $0xFFFF4000  }
0x97: {  	v2 =	vld.msk [tilespmem:s3+$0x100], $0xf;
	_ =	sdelay $0x4  }
0x98: {  	v3 =	vshrl.u32 v2, $0x3  }
0x99: {  	v3 =	vmul.u32 $0x300, v3  }
0x9a: {  	v2 =	vand.u32 $0x7, v2  }
0x9b: {  	v2 =	vor.u32 v2, v3  }
0x9c: {  	v2 =	vperm.xlane v2, v0;
	_ =	sdelay $0x1  }
0x9d: {  	v2 =	vadd.s32 v1, v2;
	_ =	sdelay $0x4  }
0x9e: {  	[tilespmem:s4], [sflag:$0x1] =	stream.indirect_vreg.gather [hbm4b:s5+s2], $0x80, v2, vm0, $0xb8;
	[tilespmem:$0x19000] =	vst v63  }
0x9f: {  	s4 =	simm.s32 $0x1800  }
0xa0: {  	[tilespmem:s4], [sflag:$0x1] =	stream.indirect_vreg.gather [hbm4b:s6+s2], $0x80, v2, vm0, $0xb8;
	[tilespmem:$0x19000] =	vst v63  }
0xa1: {  	s29 =	simm.s32 $0x2000  }
0xa2: {  	[tilespmem:s29], [sflag:$0x1] =	stream.indirect_vreg.gather [hbm4b:s7+s2], $0x80, v2, vm0, $0xb8;
	[tilespmem:$0x19000] =	vst v63  }
0xa3: {  	s25 =	simm.s32 $0x2800  }
0xa4: {  	[tilespmem:s25], [sflag:$0x1] =	stream.indirect_vreg.gather [hbm4b:s8+s2], $0x80, v2, vm0, $0xb8;
	[tilespmem:$0x19000] =	vst v63  }
0xa5: {  	s26 =	simm.s32 $0x3000  }
0xa6: {  	[tilespmem:s26], [sflag:$0x1] =	stream.indirect_vreg.gather [hbm4b:s9+s2], $0x80, v2, vm0, $0xb8;
	[tilespmem:$0x19000] =	vst v63  }
0xa7: {  	s28 =	simm.s32 $0x3800  }
0xa8: {  	[tilespmem:s28], [sflag:$0x1] =	stream.indirect_vreg.gather [hbm4b:s10+s2], $0x80, v2, vm0, $0xb8;
	[tilespmem:$0x19000] =	vst v63  }
0xa9: {  	s29 =	simm.s32 $0x4000  }
0xaa: {  	[tilespmem:s29], [sflag:$0x1] =	stream.indirect_vreg.gather [hbm4b:s11+s2], $0x80, v2, vm0, $0xb8;
	[tilespmem:$0x19000] =	vst v63  }
0xab: {  	s25 =	simm.s32 $0x4800  }
0xac: {  	[tilespmem:s25], [sflag:$0x1] =	stream.indirect_vreg.gather [hbm4b:s12+s2], $0x80, v2, vm0, $0xb8;
	[tilespmem:$0x19000] =	vst v63  }
0xad: {  	s26 =	simm.s32 $0x5000  }
0xae: {  	[tilespmem:s26], [sflag:$0x1] =	stream.indirect_vreg.gather [hbm4b:s13+s2], $0x80, v2, vm0, $0xb8;
	[tilespmem:$0x19000] =	vst v63  }
0xaf: {  	s28 =	simm.s32 $0x5800  }
0xb0: {  	[tilespmem:s28], [sflag:$0x1] =	stream.indirect_vreg.gather [hbm4b:s14+s2], $0x80, v2, vm0, $0xb8;
	[tilespmem:$0x19000] =	vst v63  }
0xb1: {  	s29 =	simm.s32 $0x6000  }
0xb2: {  	[tilespmem:s29], [sflag:$0x1] =	stream.indirect_vreg.gather [hbm4b:s15+s2], $0x80, v2, vm0, $0xb8;
	[tilespmem:$0x19000] =	vst v63  }
0xb3: {  	s25 =	simm.s32 $0x6800  }
0xb4: {  	[tilespmem:s25], [sflag:$0x1] =	stream.indirect_vreg.gather [hbm4b:s16+s2], $0x80, v2, vm0, $0xb8;
	[tilespmem:$0x19000] =	vst v63  }
0xb5: {  	s26 =	simm.s32 $0x7000  }
0xb6: {  	[tilespmem:s26], [sflag:$0x1] =	stream.indirect_vreg.gather [hbm4b:s31+s2], $0x80, v2, vm0, $0xb8;
	[tilespmem:$0x19000] =	vst v63  }
0xb7: {  	s28 =	simm.s32 $0x7800  }
0xb8: {  	[tilespmem:s28], [sflag:$0x1] =	stream.indirect_vreg.gather [hbm4b:s18+s2], $0x80, v2, vm0, $0xb8;
	[tilespmem:$0x19000] =	vst v63  }
0xb9: {  	s29 =	simm.s32 $0x8000  }
0xba: {  	[tilespmem:s29], [sflag:$0x1] =	stream.indirect_vreg.gather [hbm4b:s19+s2], $0x80, v2, vm0, $0xb8;
	[tilespmem:$0x19000] =	vst v63  }
0xbb: {  	s25 =	simm.s32 $0x8800  }
0xbc: {  	[tilespmem:s25], [sflag:$0x1] =	stream.indirect_vreg.gather [hbm4b:s30+s2], $0x80, v2, vm0, $0xb8;
	[tilespmem:$0x19000] =	vst v63  }
0xbd: {  	s26 =	simm.s32 $0x9000  }
0xbe: {  	[tilespmem:s26], [sflag:$0x1] =	stream.indirect_vreg.gather [hbm4b:s20+s2], $0x80, v2, vm0, $0xb8;
	[tilespmem:$0x19000] =	vst v63  }
0xbf: {  	s28 =	simm.s32 $0x9800  }
0xc0: {  	[tilespmem:s28], [sflag:$0x1] =	stream.indirect_vreg.gather [hbm4b:s22+s2], $0x80, v2, vm0, $0xb8;
	[tilespmem:$0x19000] =	vst v63  }
0xc1: {  	s29 =	simm.s32 $0xA000  }
0xc2: {  	[tilespmem:s29], [sflag:$0x1] =	stream.indirect_vreg.gather [hbm4b:s23+s2], $0x80, v2, vm0, $0xb8;
	[tilespmem:$0x19000] =	vst v63  }
0xc3: {  	s25 =	simm.s32 $0xA800  }
0xc4: {  	[tilespmem:s25], [sflag:$0x1] =	stream.indirect_vreg.gather [hbm4b:s24+s2], $0x80, v2, vm0, $0xb8;
	[tilespmem:$0x19000] =	vst v63  }
0xc5: {  	s26 =	simm.s32 $0xB000;
	s25 =	rddreg [dreg:$0xa]  }
0xc6: {  	[tilespmem:s26], [sflag:$0x1] =	stream.indirect_vreg.gather [hbm4b:s25+s2], $0x80, v2, vm0, $0xb8;
	[tilespmem:$0x19000] =	vst v63  }
0xc7: {  	s28 =	simm.s32 $0xB800;
	s26 =	rddreg [dreg:$0x8]  }
0xc8: {  	[tilespmem:s28], [sflag:$0x1] =	stream.indirect_vreg.gather [hbm4b:s26+s2], $0x80, v2, vm0, $0xb8;
	[tilespmem:$0x19000] =	vst v63  }
0xc9: {  	s29 =	simm.s32 $0xC000;
	s28 =	rddreg [dreg:$0xb]  }
0xca: {  	[tilespmem:s29], [sflag:$0x1] =	stream.indirect_vreg.gather [hbm4b:s28+s2], $0x80, v2, vm0, $0xb8;
	[tilespmem:$0x19000] =	vst v63  }
0xcb: {  	s17 =	simm.s32 $0xC800;
	s29 =	rddreg [dreg:$0x9]  }
0xcc: {  	[tilespmem:s17], [sflag:$0x1] =	stream.indirect_vreg.gather [hbm4b:s29+s2], $0x80, v2, vm0, $0xb8;
	[tilespmem:$0x19000] =	vst v63  }
0xcd: {  	s17 =	simm.s32 $0x4  }
0xce: {  	_ =	swait.ge [sflag:s17], $0xC000  }
0xcf: {  	[sflag:s17] =	ssyncset.done $0x0  }
0xd0: {  	[sflag:s17] =	ssyncadd.s32 $0xFFFF4000  }
0xd1: {  	v2 =	vld.msk [tilespmem:s3+$0x180], $0xf;
	_ =	sdelay $0x4  }
0xd2: {  	v3 =	vshrl.u32 v2, $0x3  }
0xd3: {  	v3 =	vmul.u32 $0x300, v3  }
0xd4: {  	v2 =	vand.u32 $0x7, v2  }
0xd5: {  	v2 =	vor.u32 v2, v3  }
0xd6: {  	v2 =	vperm.xlane v2, v0;
	_ =	sdelay $0x1  }
0xd7: {  	v2 =	vadd.s32 v1, v2;
	_ =	sdelay $0x3  }
0xd8: {  	s3 =	smov.u32 s5  }
0xd9: {  	[tilespmem:s0], [sflag:$0x2] =	stream.indirect_vreg.gather [hbm4b:s3+s2], $0x80, v2, vm0, $0xb8;
	[tilespmem:$0x19000] =	vst v63  }
0xda: {  	s5 =	smov.u32 s6;
	s0 =	simm.s32 $0xD800  }
0xdb: {  	[tilespmem:s0], [sflag:$0x2] =	stream.indirect_vreg.gather [hbm4b:s5+s2], $0x80, v2, vm0, $0xb8;
	[tilespmem:$0x19000] =	vst v63  }
0xdc: {  	s17 =	simm.s32 $0xE000;
	s6 =	smov.u32 s7  }
0xdd: {  	[tilespmem:s17], [sflag:$0x2] =	stream.indirect_vreg.gather [hbm4b:s6+s2], $0x80, v2, vm0, $0xb8;
	[tilespmem:$0x19000] =	vst v63  }
0xde: {  	s7 =	smov.u32 s8;
	s17 =	simm.s32 $0xE800  }
0xdf: {  	[tilespmem:s17], [sflag:$0x2] =	stream.indirect_vreg.gather [hbm4b:s7+s2], $0x80, v2, vm0, $0xb8;
	[tilespmem:$0x19000] =	vst v63  }
0xe0: {  	s8 =	smov.u32 s9;
	s17 =	simm.s32 $0xF000  }
0xe1: {  	[tilespmem:s17], [sflag:$0x2] =	stream.indirect_vreg.gather [hbm4b:s8+s2], $0x80, v2, vm0, $0xb8;
	[tilespmem:$0x19000] =	vst v63  }
0xe2: {  	s9 =	smov.u32 s10;
	s17 =	simm.s32 $0xF800  }
0xe3: {  	[tilespmem:s17], [sflag:$0x2] =	stream.indirect_vreg.gather [hbm4b:s9+s2], $0x80, v2, vm0, $0xb8;
	[tilespmem:$0x19000] =	vst v63  }
0xe4: {  	s10 =	smov.u32 s11;
	s17 =	simm.s32 $0x10000  }
0xe5: {  	[tilespmem:s17], [sflag:$0x2] =	stream.indirect_vreg.gather [hbm4b:s10+s2], $0x80, v2, vm0, $0xb8;
	[tilespmem:$0x19000] =	vst v63  }
0xe6: {  	s11 =	smov.u32 s12;
	s17 =	simm.s32 $0x10800  }
0xe7: {  	[tilespmem:s17], [sflag:$0x2] =	stream.indirect_vreg.gather [hbm4b:s11+s2], $0x80, v2, vm0, $0xb8;
	[tilespmem:$0x19000] =	vst v63  }
0xe8: {  	s12 =	smov.u32 s13;
	s17 =	simm.s32 $0x11000  }
0xe9: {  	[tilespmem:s17], [sflag:$0x2] =	stream.indirect_vreg.gather [hbm4b:s12+s2], $0x80, v2, vm0, $0xb8;
	[tilespmem:$0x19000] =	vst v63  }
0xea: {  	s13 =	smov.u32 s14;
	s17 =	simm.s32 $0x11800  }
0xeb: {  	[tilespmem:s17], [sflag:$0x2] =	stream.indirect_vreg.gather [hbm4b:s13+s2], $0x80, v2, vm0, $0xb8;
	[tilespmem:$0x19000] =	vst v63  }
0xec: {  	s14 =	smov.u32 s15;
	s17 =	simm.s32 $0x12000  }
0xed: {  	[tilespmem:s17], [sflag:$0x2] =	stream.indirect_vreg.gather [hbm4b:s14+s2], $0x80, v2, vm0, $0xb8;
	[tilespmem:$0x19000] =	vst v63  }
0xee: {  	s15 =	smov.u32 s16;
	s17 =	simm.s32 $0x12800  }
0xef: {  	[tilespmem:s17], [sflag:$0x2] =	stream.indirect_vreg.gather [hbm4b:s15+s2], $0x80, v2, vm0, $0xb8;
	[tilespmem:$0x19000] =	vst v63  }
0xf0: {  	s16 =	smov.u32 s31;
	s17 =	simm.s32 $0x13000  }
0xf1: {  	[tilespmem:s17], [sflag:$0x2] =	stream.indirect_vreg.gather [hbm4b:s16+s2], $0x80, v2, vm0, $0xb8;
	[tilespmem:$0x19000] =	vst v63  }
0xf2: {  	s17 =	simm.s32 $0x13800  }
0xf3: {  	[tilespmem:s17], [sflag:$0x2] =	stream.indirect_vreg.gather [hbm4b:s18+s2], $0x80, v2, vm0, $0xb8;
	[tilespmem:$0x19000] =	vst v63  }
0xf4: {  	s17 =	simm.s32 $0x14000  }
0xf5: {  	[tilespmem:s17], [sflag:$0x2] =	stream.indirect_vreg.gather [hbm4b:s19+s2], $0x80, v2, vm0, $0xb8;
	[tilespmem:$0x19000] =	vst v63  }
0xf6: {  	s17 =	simm.s32 $0x14800  }
0xf7: {  	[tilespmem:s17], [sflag:$0x2] =	stream.indirect_vreg.gather [hbm4b:s30+s2], $0x80, v2, vm0, $0xb8;
	[tilespmem:$0x19000] =	vst v63  }
0xf8: {  	s17 =	simm.s32 $0x15000  }
0xf9: {  	[tilespmem:s17], [sflag:$0x2] =	stream.indirect_vreg.gather [hbm4b:s20+s2], $0x80, v2, vm0, $0xb8;
	[tilespmem:$0x19000] =	vst v63  }
0xfa: {  	s17 =	simm.s32 $0x15800  }
0xfb: {  	[tilespmem:s17], [sflag:$0x2] =	stream.indirect_vreg.gather [hbm4b:s22+s2], $0x80, v2, vm0, $0xb8;
	[tilespmem:$0x19000] =	vst v63  }
0xfc: {  	s17 =	simm.s32 $0x16000  }
0xfd: {  	[tilespmem:s17], [sflag:$0x2] =	stream.indirect_vreg.gather [hbm4b:s23+s2], $0x80, v2, vm0, $0xb8;
	[tilespmem:$0x19000] =	vst v63  }
0xfe: {  	s17 =	simm.s32 $0x16800  }
0xff: {  	[tilespmem:s17], [sflag:$0x2] =	stream.indirect_vreg.gather [hbm4b:s24+s2], $0x80, v2, vm0, $0xb8;
	[tilespmem:$0x19000] =	vst v63  }
0x100: {  	s17 =	simm.s32 $0x17000  }
0x101: {  	[tilespmem:s17], [sflag:$0x2] =	stream.indirect_vreg.gather [hbm4b:s25+s2], $0x80, v2, vm0, $0xb8;
	[tilespmem:$0x19000] =	vst v63  }
0x102: {  	p0 =	sne.s32 s21, $0x3800;
	s25 =	simm.s32 $0x17800  }
0x103: {  	[tilespmem:s25], [sflag:$0x2] =	stream.indirect_vreg.gather [hbm4b:s26+s2], $0x80, v2, vm0, $0xb8;
	[tilespmem:$0x19000] =	vst v63  }
.Ltmp0:
0x104: {  	_ = 	snop;
	(pc) =	sbr.rel @p0 .LBB2_2-.Ltmp0, $4  }
0x105: {  	s21 =	sadd.s32 $0x400, s21;
	s26 =	simm.s32 $0x18000  }
0x106: {  	[tilespmem:s26], [sflag:$0x2] =	stream.indirect_vreg.gather [hbm4b:s28+s2], $0x80, v2, vm0, $0xb8;
	[tilespmem:$0x19000] =	vst v63  }
0x107: {  	s1 =	sadd.s32 $0x3000, s1;
	s31 =	simm.s32 $0xD000;
	s28 =	simm.s32 $0x18800  }
0x108: {  	[tilespmem:s28], [sflag:$0x2] =	stream.indirect_vreg.gather [hbm4b:s29+s2], $0x80, v2, vm0, $0xb8;
	[tilespmem:$0x19000] =	vst v63  }
0x109: {  	s1 =	simm.s32 $0x1  }
0x10a: {  	_ =	swait.ge [sflag:s1], $0xC000  }
0x10b: {  	s17 =	simm.s32 $0x1000;
	s21 =	simm.s32 $0x400;
	[sflag:s1] =	ssyncset.done $0x0  }
0x10c: {  	s25 =	simm.s32 $0x200;
	s26 =	rddreg [dreg:$0x4];
	[sflag:s1] =	ssyncadd.s32 $0xFFFF4000  }
0x10d: {  	[hbm4b:s26+s25] =	stream.strided.scatter [tilespmem:s17], [sflag:$0x3], $0xC000, s21, s25, $0x38;
	[tilespmem:$0x19000] =	vst v63  }
0x10e: {  	s26 =	simm.s32 $0x2  }
0x10f: {  	_ =	swait.ge [sflag:s26], $0xC000  }
0x110: {  	[sflag:s26] =	ssyncset.done $0x0  }
0x111: {  	s17 =	rddreg [dreg:$0x5];
	[sflag:s26] =	ssyncadd.s32 $0xFFFF4000  }
0x112: {  	[hbm4b:s17+s25] =	stream.strided.scatter [tilespmem:s31], [sflag:$0x4], $0xC000, s21, s25, $0x38;
	[tilespmem:$0x19000] =	vst v63  }
0x113: {  	s21 =	simm.s32 $0x3  }
0x114: {  	_ =	swait.ge [sflag:s21], $0xC000  }
0x115: {  	[sflag:s21] =	ssyncset.done $0x0  }
0x116: {  	s17 =	simm.s32 $0x4;
	[sflag:s21] =	ssyncadd.s32 $0xFFFF4000  }
0x117: {  	_ =	swait.ge [sflag:s17], $0xC000  }
0x118: {  	s25 =	rddreg [dreg:$0x7]  }
0x119: {  	s26 =	rddreg [dreg:$0x6];
	s21 =	sadd.s32 $0x1, s25  }
0x11a: {  	p0 =	sne.s32 s21, s26  }
.Ltmp1:
0x11b: {  	[sflag:s17] =	ssyncset.done $0x0;
	s29 =	rddreg [dreg:$0xa];
	(pc) =	sbr.rel @p0 .LBB2_1-.Ltmp1, $4  }
0x11c: {  	[sflag:s17] =	ssyncadd.s32 $0xFFFF4000;
	s17 =	rddreg [dreg:$0x8]  }
0x11d: {  	s25 =	rddreg [dreg:$0xb]  }
0x11e: {  	[dreg:$0x7] =	wrdreg s21  }
0x11f: {  	s28 =	simm.s32 $0x2000;
	s21 =	simm.s32 $0x2800;
	s26 =	rddreg [dreg:$0x9]  }
0x120: {  	_ =	sfence.sel $0x180000  }
0x121: {  	[bflag:$0x0] =	sbarrier.arrive $0xFFFF  }
0x122: {  	_ =	strace $0x90000047  }
0x123: {  	s0 =	stileid.u32;
	[bflag:$0x2] =	sbarrier.arrive $0xFFFF  }
0x124: {  	p0 =	sne.s32 s0, $0x0;
	s0 =	rddreg [dreg:$0x1]  }
0x125: {  	s0 =	sadd.s32 @!p0 $0x100000, s0  }
0x126: {  	[sflag:s0] =	ssyncadd.tile.s32 @!p0 $0x1;
	_ =	shalt  }
.Lfunc_end2:
_tile_overlayer_lowered:
.L_overlay_start_2:
0x127: {  	(tag) =	ssettag $0x2  }
0x128: {  	s0 =	rddreg [dreg:$0x0];
	s2 =	stileid.u32  }
0x129: {  	s1 =	rddreg [dreg:$0x1];
	p0 =	sne.s32 s2, $0x0  }
0x12a: {  	s3 =	rddreg [dreg:$0x2];
	[bflag:$0x3] =	sbarrier.arrive $0xFFFF;
	s2 =	simm.s32 @!p0 $0x1C05  }
0x12b: {  	[timem:s3], [sflag:s2] =	dma.local @!p0 [hbm:s0], s1  }
0x12c: {  	s0 =	simm.s32 @!p0 $0x5  }
0x12d: {  	_ =	swait.ge @!p0 [sflag:s0], s1  }
0x12e: {  	s1 =	ssub.s32 @!p0 $0x0, s1;
	[sflag:s0] =	ssyncset.done @!p0 $0x0  }
0x12f: {  	[sflag:s0] =	ssyncadd.s32 @!p0 s1  }
0x130: {  	[bflag:$0x3] =	sbarrier.arrive $0xFFFF  }
0x131: {  	_ =	shalt  }

</sc_bundles>
